<compile_context>
chip_gen: v7x
topology: tpu7x:2x2x1
jax: 0.10.2.dev20260603
libtpu: 0.0.44.dev20260713+nightly
codegen_flags: <defaults>
</compile_context>

<pallas_src>
import functools

import jax
import jax.numpy as jnp
from jax import lax
from jax.experimental import pallas as pl
from jax.experimental.pallas import tpu as pltpu
from jax.experimental.pallas import tpu_sc as plsc

N = 5000
TILE = 1024
T = 5
NPAD = 5120
MAX_DETECTION = 1000
DET_THRESHOLD = 0.2
IOU_THRESHOLD = 0.5
F = 6


def _nms_body(coords, x0r, y0r, x1r, y1r, sr, sup_ref, rank_ref):
    xr0 = [x0r[pl.ds(t * 8, 8), :] for t in range(T)]
    yr0 = [y0r[pl.ds(t * 8, 8), :] for t in range(T)]
    xr1 = [x1r[pl.ds(t * 8, 8), :] for t in range(T)]
    yr1 = [y1r[pl.ds(t * 8, 8), :] for t in range(T)]
    sj = [sr[pl.ds(t * 8, 8), :] for t in range(T)]
    area_r = [(xr1[t] - xr0[t]) * (yr1[t] - yr0[t]) for t in range(T)]

    zero = xr0[0] * 0.0
    one = zero + 1.0

    def group(i, t, mode, jlin):
        base = i * F
        x0 = coords[base]
        y0 = coords[base + 1]
        x1 = coords[base + 2]
        y1 = coords[base + 3]
        ai = coords[base + 4]
        si = coords[base + 5]
        ltx = jnp.maximum(xr0[t], x0)
        lty = jnp.maximum(yr0[t], y0)
        rbx = jnp.minimum(xr1[t], x1)
        rby = jnp.minimum(yr1[t], y1)
        w = jnp.maximum(rbx - ltx, 0.0)
        h = jnp.maximum(rby - lty, 0.0)
        inter = w * h
        union = (ai + area_r[t]) - inter
        if mode == 0:
            prec = si >= sj[t]
        elif mode == 1:
            prec = (si > sj[t]) | ((si == sj[t]) & (i < jlin))
        else:
            prec = si > sj[t]
        p01 = jnp.where(prec, 1.0, 0.0)
        return inter * p01, union, p01

    def finish(pend, acc):
        pi, pu = pend
        return jnp.maximum(acc, pi / pu)

    def make_step(r, jlin):
        def step(i, st):
            accs, rks, pend = st
            na, nr, np_ = [], [], []
            for t in range(T):
                mode = 1 if t == r else (2 if t < r else 0)
                acc = finish(pend[t], accs[t])
                interp, union, p01 = group(i, t, mode, jlin)
                np_.append((interp, union))
                na.append(acc)
                nr.append(rks[t] + p01)
            return tuple(na), tuple(nr), tuple(np_)
        return step

    st = ((zero,) * T, (zero,) * T,
          tuple((zero, one) for _ in range(T)))
    iota2d = (jax.lax.broadcasted_iota(jnp.int32, (8, 128), 0) * 128
              + jax.lax.broadcasted_iota(jnp.int32, (8, 128), 1))
    for r in range(T):
        lo, hi = TILE * r, min(TILE * (r + 1), N)
        jlin = iota2d + TILE * r
        st = jax.lax.fori_loop(lo, hi, make_step(r, jlin), st)
    accs, rks, pend = st
    for t in range(T):
        acc = finish(pend[t], accs[t])
        sup_ref[pl.ds(t * 8, 8), :] = acc
        rank_ref[pl.ds(t * 8, 8), :] = rks[t]


def _nms_pass(coords_smem, rows):
    smem_spec = pl.BlockSpec(memory_space=pltpu.SMEM)
    return pl.pallas_call(
        _nms_body,
        in_specs=[smem_spec]
        + [pl.BlockSpec((NPAD // 128, 128), lambda: (0, 0))] * 5,
        out_specs=[pl.BlockSpec((NPAD // 128, 128), lambda: (0, 0))] * 2,
        out_shape=[jax.ShapeDtypeStruct((NPAD // 128, 128), jnp.float32)] * 2,
    )(coords_smem, *rows)


KPAD = 1024


def _sc_gather_boxes(bp, idx):
    mesh = plsc.VectorSubcoreMesh(core_axis_name="c", subcore_axis_name="s")
    per_w = KPAD // 32

    @functools.partial(
        pl.kernel,
        mesh=mesh,
        out_type=jax.ShapeDtypeStruct((KPAD, 4), jnp.float32),
        scratch_types=[
            pltpu.VMEM((per_w,), jnp.int32),
            pltpu.VMEM((per_w, 4), jnp.float32),
            pltpu.SemaphoreType.DMA,
        ],
        compiler_params=pltpu.CompilerParams(use_tc_tiling_on_sc=False),
    )
    def gk(bh, idxh, o, idx_v, rows_v, sem):
        wid = lax.axis_index("s") * 2 + lax.axis_index("c")
        base = wid * per_w
        pltpu.sync_copy(idxh.at[pl.ds(base, per_w)], idx_v)
        pltpu.async_copy(bh.at[idx_v], rows_v, sem).wait()
        pltpu.sync_copy(rows_v, o.at[pl.ds(base, per_w)])

    return gk(bp, idx)


def kernel(boxes, scores):
    area = (boxes[:, 2] - boxes[:, 0]) * (boxes[:, 3] - boxes[:, 1])
    coords = jnp.concatenate(
        [boxes, area[:, None], scores[:, None]], axis=1).reshape(-1)
    bp = jnp.pad(boxes, ((0, NPAD - N), (0, 0)))
    sp = jnp.pad(scores, (0, NPAD - N))
    rows = [bp[:, k].reshape(NPAD // 128, 128) for k in range(4)]
    rows.append(sp.reshape(NPAD // 128, 128))
    sup, rank = _nms_pass(coords, rows)
    sup = sup.reshape(NPAD)[:N]
    rank = rank.reshape(NPAD)[:N]
    keep = (sup <= IOU_THRESHOLD) & (scores >= DET_THRESHOLD)
    key = jnp.where(keep, scores, -(rank + 1.0))
    top_key, top_idx = jax.lax.top_k(key, MAX_DETECTION)
    top_scores = jnp.maximum(top_key, 0.0)
    idx_pad = jnp.pad(top_idx, (0, KPAD - MAX_DETECTION))
    top_boxes = _sc_gather_boxes(bp, idx_pad)[:MAX_DETECTION]
    return jnp.concatenate([top_boxes, top_scores[:, None]], axis=1)

# --- scband reference (transcript-rebuilt; emitter-appended) ---
"""Pipeline reference for scband-post-processor-51977694216860 (READ-ONLY COPY).

The authoritative reference and input builder live on the scoring server;
editing this copy changes nothing except your own understanding.
"""

import jax, jax.numpy as jnp
import numpy as np

N = 5000
MAX_DETECTION = 1000
DET_THRESHOLD = 0.2
IOU_THRESHOLD = 0.5


def setup_inputs(seed: int = 0) -> dict:
    key = jax.random.key(seed)
    k1, k2, k3 = jax.random.split(key, 3)
    # build well-formed xyxy boxes inside a 1024x1024 image
    centers = jax.random.uniform(k1, (N, 2), dtype=jnp.float32) * 1024.0
    sizes = jax.random.uniform(k2, (N, 2), dtype=jnp.float32) * 128.0 + 4.0
    boxes = jnp.concatenate([centers - sizes / 2.0, centers + sizes / 2.0], axis=1)
    scores = jax.random.uniform(k3, (N,), dtype=jnp.float32)
    return {"boxes": boxes, "scores": scores}


def _pairwise_iou(b):
    # b: [N, 4] xyxy
    area = (b[:, 2] - b[:, 0]) * (b[:, 3] - b[:, 1])
    lt = jnp.maximum(b[:, None, :2], b[None, :, :2])
    rb = jnp.minimum(b[:, None, 2:], b[None, :, 2:])
    wh = jnp.clip(rb - lt, 0.0)
    inter = wh[..., 0] * wh[..., 1]
    union = area[:, None] + area[None, :] - inter
    return inter / jnp.maximum(union, 1e-9)


def reference(boxes, scores):
    # detection post-processing: score sort -> pairwise-IoU suppression (matrix/fast NMS)
    # -> score threshold -> top-K detections, mirroring PostProcessor's
    # select_topk + det_threshold + DETECTIONS_PER_IMG pipeline.
    order = jnp.argsort(-scores)
    b = jnp.take(boxes, order, axis=0)
    s = jnp.take(scores, order, axis=0)
    iou = _pairwise_iou(b)
    # only higher-scoring boxes (earlier in sorted order) can suppress later ones
    iou = jnp.triu(iou, k=1)
    max_iou = jnp.max(iou, axis=0)
    keep = (max_iou <= IOU_THRESHOLD) & (s >= DET_THRESHOLD)
    masked_scores = s * keep.astype(s.dtype)
    top_scores, top_idx = jax.lax.top_k(masked_scores, MAX_DETECTION)
    top_boxes = jnp.take(b, top_idx, axis=0)
    return jnp.concatenate([top_boxes, top_scores[:, None]], axis=1)

if __name__ == "__main__":
    import jax
    _d = setup_inputs()
    print(jax.jit(kernel)(*tuple(_d.values())))

</pallas_src>

<mosaic_0001>
#map = affine_map<(d0, d1) -> (0, 0)>
#map1 = affine_map<(d0, d1) -> (0)>
module attributes {stable_mosaic.version = 14 : i64} {
  func.func @gk(%arg0: i32, %arg1: i32, %arg2: memref<5120x4xf32, #tpu.memory_space<hbm>>, %arg3: memref<1024xi32, #tpu.memory_space<hbm>>, %arg4: memref<1024x4xf32, #tpu.memory_space<hbm>>, %arg5: memref<32xi32, #tpu.memory_space<vmem>>, %arg6: memref<32x4xf32, #tpu.memory_space<vmem>>, %arg7: memref<!tpu.dma_semaphore, #tpu.memory_space<semaphore_mem>>) attributes {dimension_semantics = [#tpu.dimension_semantics<core_parallel>, #tpu.dimension_semantics<subcore_parallel>], iteration_bounds = array<i64: 2, 16>, scalar_prefetch = 0 : i64, scratch_operands = 3 : i64, tpu.core_type = #tpu.core_type<sc_vector_subcore>, window_params = [{transform_indices = #map}, {transform_indices = #map1}, {transform_indices = #map}]} {
    %mul3A = arith.constant 2 : i32
    %mul3A_0 = arith.muli %arg1, %mul3A : i32
    %add3A = arith.addi %mul3A_0, %arg0 : i32
    %mul3A_1 = arith.constant 32 : i32
    %mul3A_2 = arith.muli %add3A, %mul3A_1 : i32
    "tpu.region"() ({
      %run_scoped3A = tpu.sem_alloc : memref<!tpu.dma_semaphore, #tpu.memory_space<semaphore_mem>>
      %dma_start3A_7 = tpu.memref_slice %arg3[%mul3A_2] : memref<1024xi32, #tpu.memory_space<hbm>> -> memref<32xi32, #tpu.memory_space<hbm>>
      %dma_start3A_8 = tpu.memref_slice %arg3[%mul3A_2] : memref<1024xi32, #tpu.memory_space<hbm>> -> memref<32xi32, #tpu.memory_space<hbm>>
      tpu.enqueue_dma source(%dma_start3A_8 : memref<32xi32, #tpu.memory_space<hbm>>) target(%arg5 : memref<32xi32, #tpu.memory_space<vmem>>) target_semaphore(%run_scoped3A : memref<!tpu.dma_semaphore, #tpu.memory_space<semaphore_mem>>)
      %dma_wait3A_9 = tpu.memref_slice %arg3[%mul3A_2] : memref<1024xi32, #tpu.memory_space<hbm>> -> memref<32xi32, #tpu.memory_space<hbm>>
      %dma_wait3A_10 = tpu.memref_slice %arg3[%mul3A_2] : memref<1024xi32, #tpu.memory_space<hbm>> -> memref<32xi32, #tpu.memory_space<hbm>>
      tpu.wait_dma2 semaphore(%run_scoped3A : memref<!tpu.dma_semaphore, #tpu.memory_space<semaphore_mem>>) src(%dma_wait3A_10 : memref<32xi32, #tpu.memory_space<hbm>>) dst(%arg5 : memref<32xi32, #tpu.memory_space<vmem>>)
      tpu.yield
    }) : () -> ()
    %dma_start3A = arith.constant 0 : i32
    %dma_start3A_3 = arith.constant 0 : i32
    %dma_start3A_4 = tpu.memref_slice %arg2[%dma_start3A, %dma_start3A_3] : memref<5120x4xf32, #tpu.memory_space<hbm>> -> memref<5120x4xf32, #tpu.memory_space<hbm>>
    tpu.enqueue_indirect_dma source(%dma_start3A_4 : memref<5120x4xf32, #tpu.memory_space<hbm>>) target(%arg6 : memref<32x4xf32, #tpu.memory_space<vmem>>) offsets(%arg5 : memref<32xi32, #tpu.memory_space<vmem>>) semaphore(%arg7 : memref<!tpu.dma_semaphore, #tpu.memory_space<semaphore_mem>>)
    %dma_wait3A = arith.constant 0 : i32
    %dma_wait3A_5 = arith.constant 0 : i32
    %dma_wait3A_6 = tpu.memref_slice %arg2[%dma_wait3A, %dma_wait3A_5] : memref<5120x4xf32, #tpu.memory_space<hbm>> -> memref<5120x4xf32, #tpu.memory_space<hbm>>
    tpu.wait_indirect_dma semaphore(%arg7 : memref<!tpu.dma_semaphore, #tpu.memory_space<semaphore_mem>>) src(%dma_wait3A_6 : memref<5120x4xf32, #tpu.memory_space<hbm>>) dst(%arg6 : memref<32x4xf32, #tpu.memory_space<vmem>>)
    "tpu.region"() ({
      %run_scoped3A = tpu.sem_alloc : memref<!tpu.dma_semaphore, #tpu.memory_space<semaphore_mem>>
      %dma_start3A_7 = arith.constant 0 : i32
      %dma_start3A_8 = tpu.memref_slice %arg4[%mul3A_2, %dma_start3A_7] : memref<1024x4xf32, #tpu.memory_space<hbm>> -> memref<32x4xf32, #tpu.memory_space<hbm>>
      %dma_start3A_9 = arith.constant 0 : i32
      %dma_start3A_10 = tpu.memref_slice %arg4[%mul3A_2, %dma_start3A_9] : memref<1024x4xf32, #tpu.memory_space<hbm>> -> memref<32x4xf32, #tpu.memory_space<hbm>>
      tpu.enqueue_dma source(%arg6 : memref<32x4xf32, #tpu.memory_space<vmem>>) target(%dma_start3A_10 : memref<32x4xf32, #tpu.memory_space<hbm>>) target_semaphore(%run_scoped3A : memref<!tpu.dma_semaphore, #tpu.memory_space<semaphore_mem>>)
      %dma_wait3A_11 = arith.constant 0 : i32
      %dma_wait3A_12 = tpu.memref_slice %arg4[%mul3A_2, %dma_wait3A_11] : memref<1024x4xf32, #tpu.memory_space<hbm>> -> memref<32x4xf32, #tpu.memory_space<hbm>>
      %dma_wait3A_13 = arith.constant 0 : i32
      %dma_wait3A_14 = tpu.memref_slice %arg4[%mul3A_2, %dma_wait3A_13] : memref<1024x4xf32, #tpu.memory_space<hbm>> -> memref<32x4xf32, #tpu.memory_space<hbm>>
      tpu.wait_dma2 semaphore(%run_scoped3A : memref<!tpu.dma_semaphore, #tpu.memory_space<semaphore_mem>>) src(%arg6 : memref<32x4xf32, #tpu.memory_space<vmem>>) dst(%dma_wait3A_14 : memref<32x4xf32, #tpu.memory_space<hbm>>)
      tpu.yield
    }) : () -> ()
    return
  }
}

module attributes {stable_mosaic.version = 14 : i64} {
  func.func @_nms_body(%arg0: memref<30000xf32, #tpu.memory_space<smem>>, %arg1: memref<40x128xf32, #tpu.memory_space<vmem>>, %arg2: memref<40x128xf32, #tpu.memory_space<vmem>>, %arg3: memref<40x128xf32, #tpu.memory_space<vmem>>, %arg4: memref<40x128xf32, #tpu.memory_space<vmem>>, %arg5: memref<40x128xf32, #tpu.memory_space<vmem>>, %arg6: memref<40x128xf32, #tpu.memory_space<vmem>>, %arg7: memref<40x128xf32, #tpu.memory_space<vmem>>) attributes {dimension_semantics = [], scalar_prefetch = 0 : i64, scratch_operands = 0 : i64, tpu.core_type = #tpu.core_type<tc>} {
    %get3A = arith.constant 0 : index
    %get3A_0 = arith.constant 0 : index
    %get3A_1 = vector.load %arg1[%get3A, %get3A_0] : memref<40x128xf32, #tpu.memory_space<vmem>>, vector<8x128xf32>
    %get3A_2 = arith.constant 8 : index
    %get3A_3 = arith.constant 0 : index
    %get3A_4 = vector.load %arg1[%get3A_2, %get3A_3] : memref<40x128xf32, #tpu.memory_space<vmem>>, vector<8x128xf32>
    %get3A_5 = arith.constant 16 : index
    %get3A_6 = arith.constant 0 : index
    %get3A_7 = vector.load %arg1[%get3A_5, %get3A_6] : memref<40x128xf32, #tpu.memory_space<vmem>>, vector<8x128xf32>
    %get3A_8 = arith.constant 24 : index
    %get3A_9 = arith.constant 0 : index
    %get3A_10 = vector.load %arg1[%get3A_8, %get3A_9] : memref<40x128xf32, #tpu.memory_space<vmem>>, vector<8x128xf32>
    %get3A_11 = arith.constant 32 : index
    %get3A_12 = arith.constant 0 : index
    %get3A_13 = vector.load %arg1[%get3A_11, %get3A_12] : memref<40x128xf32, #tpu.memory_space<vmem>>, vector<8x128xf32>
    %get3A_14 = arith.constant 0 : index
    %get3A_15 = arith.constant 0 : index
    %get3A_16 = vector.load %arg2[%get3A_14, %get3A_15] : memref<40x128xf32, #tpu.memory_space<vmem>>, vector<8x128xf32>
    %get3A_17 = arith.constant 8 : index
    %get3A_18 = arith.constant 0 : index
    %get3A_19 = vector.load %arg2[%get3A_17, %get3A_18] : memref<40x128xf32, #tpu.memory_space<vmem>>, vector<8x128xf32>
    %get3A_20 = arith.constant 16 : index
    %get3A_21 = arith.constant 0 : index
    %get3A_22 = vector.load %arg2[%get3A_20, %get3A_21] : memref<40x128xf32, #tpu.memory_space<vmem>>, vector<8x128xf32>
    %get3A_23 = arith.constant 24 : index
    %get3A_24 = arith.constant 0 : index
    %get3A_25 = vector.load %arg2[%get3A_23, %get3A_24] : memref<40x128xf32, #tpu.memory_space<vmem>>, vector<8x128xf32>
    %get3A_26 = arith.constant 32 : index
    %get3A_27 = arith.constant 0 : index
    %get3A_28 = vector.load %arg2[%get3A_26, %get3A_27] : memref<40x128xf32, #tpu.memory_space<vmem>>, vector<8x128xf32>
    %get3A_29 = arith.constant 0 : index
    %get3A_30 = arith.constant 0 : index
    %get3A_31 = vector.load %arg3[%get3A_29, %get3A_30] : memref<40x128xf32, #tpu.memory_space<vmem>>, vector<8x128xf32>
    %get3A_32 = arith.constant 8 : index
    %get3A_33 = arith.constant 0 : index
    %get3A_34 = vector.load %arg3[%get3A_32, %get3A_33] : memref<40x128xf32, #tpu.memory_space<vmem>>, vector<8x128xf32>
    %get3A_35 = arith.constant 16 : index
    %get3A_36 = arith.constant 0 : index
    %get3A_37 = vector.load %arg3[%get3A_35, %get3A_36] : memref<40x128xf32, #tpu.memory_space<vmem>>, vector<8x128xf32>
    %get3A_38 = arith.constant 24 : index
    %get3A_39 = arith.constant 0 : index
    %get3A_40 = vector.load %arg3[%get3A_38, %get3A_39] : memref<40x128xf32, #tpu.memory_space<vmem>>, vector<8x128xf32>
    %get3A_41 = arith.constant 32 : index
    %get3A_42 = arith.constant 0 : index
    %get3A_43 = vector.load %arg3[%get3A_41, %get3A_42] : memref<40x128xf32, #tpu.memory_space<vmem>>, vector<8x128xf32>
    %get3A_44 = arith.constant 0 : index
    %get3A_45 = arith.constant 0 : index
    %get3A_46 = vector.load %arg4[%get3A_44, %get3A_45] : memref<40x128xf32, #tpu.memory_space<vmem>>, vector<8x128xf32>
    %get3A_47 = arith.constant 8 : index
    %get3A_48 = arith.constant 0 : index
    %get3A_49 = vector.load %arg4[%get3A_47, %get3A_48] : memref<40x128xf32, #tpu.memory_space<vmem>>, vector<8x128xf32>
    %get3A_50 = arith.constant 16 : index
    %get3A_51 = arith.constant 0 : index
    %get3A_52 = vector.load %arg4[%get3A_50, %get3A_51] : memref<40x128xf32, #tpu.memory_space<vmem>>, vector<8x128xf32>
    %get3A_53 = arith.constant 24 : index
    %get3A_54 = arith.constant 0 : index
    %get3A_55 = vector.load %arg4[%get3A_53, %get3A_54] : memref<40x128xf32, #tpu.memory_space<vmem>>, vector<8x128xf32>
    %get3A_56 = arith.constant 32 : index
    %get3A_57 = arith.constant 0 : index
    %get3A_58 = vector.load %arg4[%get3A_56, %get3A_57] : memref<40x128xf32, #tpu.memory_space<vmem>>, vector<8x128xf32>
    %get3A_59 = arith.constant 0 : index
    %get3A_60 = arith.constant 0 : index
    %get3A_61 = vector.load %arg5[%get3A_59, %get3A_60] : memref<40x128xf32, #tpu.memory_space<vmem>>, vector<8x128xf32>
    %get3A_62 = arith.constant 8 : index
    %get3A_63 = arith.constant 0 : index
    %get3A_64 = vector.load %arg5[%get3A_62, %get3A_63] : memref<40x128xf32, #tpu.memory_space<vmem>>, vector<8x128xf32>
    %get3A_65 = arith.constant 16 : index
    %get3A_66 = arith.constant 0 : index
    %get3A_67 = vector.load %arg5[%get3A_65, %get3A_66] : memref<40x128xf32, #tpu.memory_space<vmem>>, vector<8x128xf32>
    %get3A_68 = arith.constant 24 : index
    %get3A_69 = arith.constant 0 : index
    %get3A_70 = vector.load %arg5[%get3A_68, %get3A_69] : memref<40x128xf32, #tpu.memory_space<vmem>>, vector<8x128xf32>
    %get3A_71 = arith.constant 32 : index
    %get3A_72 = arith.constant 0 : index
    %get3A_73 = vector.load %arg5[%get3A_71, %get3A_72] : memref<40x128xf32, #tpu.memory_space<vmem>>, vector<8x128xf32>
    %sub3A = arith.subf %get3A_31, %get3A_1 : vector<8x128xf32>
    %sub3A_74 = arith.subf %get3A_46, %get3A_16 : vector<8x128xf32>
    %mul3A = arith.mulf %sub3A, %sub3A_74 : vector<8x128xf32>
    %sub3A_75 = arith.subf %get3A_34, %get3A_4 : vector<8x128xf32>
    %sub3A_76 = arith.subf %get3A_49, %get3A_19 : vector<8x128xf32>
    %mul3A_77 = arith.mulf %sub3A_75, %sub3A_76 : vector<8x128xf32>
    %sub3A_78 = arith.subf %get3A_37, %get3A_7 : vector<8x128xf32>
    %sub3A_79 = arith.subf %get3A_52, %get3A_22 : vector<8x128xf32>
    %mul3A_80 = arith.mulf %sub3A_78, %sub3A_79 : vector<8x128xf32>
    %sub3A_81 = arith.subf %get3A_40, %get3A_10 : vector<8x128xf32>
    %sub3A_82 = arith.subf %get3A_55, %get3A_25 : vector<8x128xf32>
    %mul3A_83 = arith.mulf %sub3A_81, %sub3A_82 : vector<8x128xf32>
    %sub3A_84 = arith.subf %get3A_43, %get3A_13 : vector<8x128xf32>
    %sub3A_85 = arith.subf %get3A_58, %get3A_28 : vector<8x128xf32>
    %mul3A_86 = arith.mulf %sub3A_84, %sub3A_85 : vector<8x128xf32>
    %mul3A_87 = arith.constant 0.000000e+00 : f32
    %mul3A_88 = vector.broadcast %mul3A_87 : f32 to vector<8x128xf32>
    %mul3A_89 = arith.mulf %get3A_1, %mul3A_88 : vector<8x128xf32>
    %add3A = arith.constant 1.000000e+00 : f32
    %add3A_90 = vector.broadcast %add3A : f32 to vector<8x128xf32>
    %add3A_91 = arith.addf %mul3A_89, %add3A_90 : vector<8x128xf32>
    %iota3A = tpu.iota {dimensions = array<i32: 0>} : vector<8x128xi32>
    %mul3A_92 = arith.constant 128 : i32
    %mul3A_93 = vector.broadcast %mul3A_92 : i32 to vector<8x128xi32>
    %mul3A_94 = arith.muli %iota3A, %mul3A_93 : vector<8x128xi32>
    %iota3A_95 = tpu.iota {dimensions = array<i32: 1>} : vector<8x128xi32>
    %add3A_96 = arith.addi %mul3A_94, %iota3A_95 : vector<8x128xi32>
    %add3A_97 = arith.constant 0 : i32
    %add3A_98 = vector.broadcast %add3A_97 : i32 to vector<8x128xi32>
    %add3A_99 = arith.addi %add3A_96, %add3A_98 : vector<8x128xi32>
    %scan3A = arith.constant 0 : i32
    %scan3A_100 = arith.constant 1024 : i32
    %scan3A_101 = arith.addi %scan3A, %scan3A_100 : i32
    %scan3A_102 = arith.constant 1 : i32
    %scan3A_103:20 = scf.for %scan3A_178 = %scan3A to %scan3A_101 step %scan3A_102 iter_args(%scan3A_179 = %mul3A_89, %scan3A_180 = %mul3A_89, %scan3A_181 = %mul3A_89, %scan3A_182 = %mul3A_89, %scan3A_183 = %mul3A_89, %scan3A_184 = %mul3A_89, %scan3A_185 = %mul3A_89, %scan3A_186 = %mul3A_89, %scan3A_187 = %mul3A_89, %scan3A_188 = %mul3A_89, %scan3A_189 = %mul3A_89, %scan3A_190 = %add3A_91, %scan3A_191 = %mul3A_89, %scan3A_192 = %add3A_91, %scan3A_193 = %mul3A_89, %scan3A_194 = %add3A_91, %scan3A_195 = %mul3A_89, %scan3A_196 = %add3A_91, %scan3A_197 = %mul3A_89, %scan3A_198 = %add3A_91) -> (vector<8x128xf32>, vector<8x128xf32>, vector<8x128xf32>, vector<8x128xf32>, vector<8x128xf32>, vector<8x128xf32>, vector<8x128xf32>, vector<8x128xf32>, vector<8x128xf32>, vector<8x128xf32>, vector<8x128xf32>, vector<8x128xf32>, vector<8x128xf32>, vector<8x128xf32>, vector<8x128xf32>, vector<8x128xf32>, vector<8x128xf32>, vector<8x128xf32>, vector<8x128xf32>, vector<8x128xf32>)  : i32 {
      %div3A_199 = arith.divf %scan3A_189, %scan3A_190 : vector<8x128xf32>
      %max3A_200 = arith.maximumf %scan3A_179, %div3A_199 : vector<8x128xf32>
      %mul3A_201 = arith.constant 6 : i32
      %mul3A_202 = arith.muli %scan3A_178, %mul3A_201 : i32
      %get3A_203 = arith.index_cast %mul3A_202 : i32 to index
      %get3A_204 = memref.load %arg0[%get3A_203] : memref<30000xf32, #tpu.memory_space<smem>>
      %add3A_205 = arith.constant 1 : i32
      %add3A_206 = arith.addi %mul3A_202, %add3A_205 : i32
      %get3A_207 = arith.index_cast %add3A_206 : i32 to index
      %get3A_208 = memref.load %arg0[%get3A_207] : memref<30000xf32, #tpu.memory_space<smem>>
      %add3A_209 = arith.constant 2 : i32
      %add3A_210 = arith.addi %mul3A_202, %add3A_209 : i32
      %get3A_211 = arith.index_cast %add3A_210 : i32 to index
      %get3A_212 = memref.load %arg0[%get3A_211] : memref<30000xf32, #tpu.memory_space<smem>>
      %add3A_213 = arith.constant 3 : i32
      %add3A_214 = arith.addi %mul3A_202, %add3A_213 : i32
      %get3A_215 = arith.index_cast %add3A_214 : i32 to index
      %get3A_216 = memref.load %arg0[%get3A_215] : memref<30000xf32, #tpu.memory_space<smem>>
      %add3A_217 = arith.constant 4 : i32
      %add3A_218 = arith.addi %mul3A_202, %add3A_217 : i32
      %get3A_219 = arith.index_cast %add3A_218 : i32 to index
      %get3A_220 = memref.load %arg0[%get3A_219] : memref<30000xf32, #tpu.memory_space<smem>>
      %add3A_221 = arith.constant 5 : i32
      %add3A_222 = arith.addi %mul3A_202, %add3A_221 : i32
      %get3A_223 = arith.index_cast %add3A_222 : i32 to index
      %get3A_224 = memref.load %arg0[%get3A_223] : memref<30000xf32, #tpu.memory_space<smem>>
      %max3A_225 = vector.broadcast %get3A_204 : f32 to vector<8x128xf32>
      %max3A_226 = arith.maximumf %get3A_1, %max3A_225 : vector<8x128xf32>
      %max3A_227 = vector.broadcast %get3A_208 : f32 to vector<8x128xf32>
      %max3A_228 = arith.maximumf %get3A_16, %max3A_227 : vector<8x128xf32>
      %min3A = vector.broadcast %get3A_212 : f32 to vector<8x128xf32>
      %min3A_229 = arith.minimumf %get3A_31, %min3A : vector<8x128xf32>
      %min3A_230 = vector.broadcast %get3A_216 : f32 to vector<8x128xf32>
      %min3A_231 = arith.minimumf %get3A_46, %min3A_230 : vector<8x128xf32>
      %sub3A_232 = arith.subf %min3A_229, %max3A_226 : vector<8x128xf32>
      %max3A_233 = arith.constant 0.000000e+00 : f32
      %max3A_234 = vector.broadcast %max3A_233 : f32 to vector<8x128xf32>
      %max3A_235 = arith.maximumf %sub3A_232, %max3A_234 : vector<8x128xf32>
      %sub3A_236 = arith.subf %min3A_231, %max3A_228 : vector<8x128xf32>
      %max3A_237 = arith.constant 0.000000e+00 : f32
      %max3A_238 = vector.broadcast %max3A_237 : f32 to vector<8x128xf32>
      %max3A_239 = arith.maximumf %sub3A_236, %max3A_238 : vector<8x128xf32>
      %mul3A_240 = arith.mulf %max3A_235, %max3A_239 : vector<8x128xf32>
      %add3A_241 = vector.broadcast %get3A_220 : f32 to vector<8x128xf32>
      %add3A_242 = arith.addf %add3A_241, %mul3A : vector<8x128xf32>
      %sub3A_243 = arith.subf %add3A_242, %mul3A_240 : vector<8x128xf32>
      %gt3A = vector.broadcast %get3A_224 : f32 to vector<8x128xf32>
      %gt3A_244 = arith.cmpf ogt, %gt3A, %get3A_61 : vector<8x128xf32>
      %eq3A = vector.broadcast %get3A_224 : f32 to vector<8x128xf32>
      %eq3A_245 = arith.cmpf oeq, %eq3A, %get3A_61 : vector<8x128xf32>
      %lt3A = vector.broadcast %scan3A_178 : i32 to vector<8x128xi32>
      %lt3A_246 = arith.cmpi slt, %lt3A, %add3A_99 : vector<8x128xi32>
      %and3A = arith.andi %eq3A_245, %lt3A_246 : vector<8x128xi1>
      %or3A = arith.ori %gt3A_244, %and3A : vector<8x128xi1>
      %jit3A = arith.constant 1.000000e+00 : f32
      %jit3A_247 = arith.constant 0.000000e+00 : f32
      %broadcast_in_dim3A = vector.broadcast %jit3A : f32 to vector<8x128xf32>
      %broadcast_in_dim3A_248 = vector.broadcast %jit3A_247 : f32 to vector<8x128xf32>
      %select_n3A = arith.select %or3A, %broadcast_in_dim3A, %broadcast_in_dim3A_248 : vector<8x128xi1>, vector<8x128xf32>
      %mul3A_249 = arith.mulf %mul3A_240, %select_n3A : vector<8x128xf32>
      %add3A_250 = arith.addf %scan3A_184, %select_n3A : vector<8x128xf32>
      %div3A_251 = arith.divf %scan3A_191, %scan3A_192 : vector<8x128xf32>
      %max3A_252 = arith.maximumf %scan3A_180, %div3A_251 : vector<8x128xf32>
      %mul3A_253 = arith.constant 6 : i32
      %mul3A_254 = arith.muli %scan3A_178, %mul3A_253 : i32
      %get3A_255 = arith.index_cast %mul3A_254 : i32 to index
      %get3A_256 = memref.load %arg0[%get3A_255] : memref<30000xf32, #tpu.memory_space<smem>>
      %add3A_257 = arith.constant 1 : i32
      %add3A_258 = arith.addi %mul3A_254, %add3A_257 : i32
      %get3A_259 = arith.index_cast %add3A_258 : i32 to index
      %get3A_260 = memref.load %arg0[%get3A_259] : memref<30000xf32, #tpu.memory_space<smem>>
      %add3A_261 = arith.constant 2 : i32
      %add3A_262 = arith.addi %mul3A_254, %add3A_261 : i32
      %get3A_263 = arith.index_cast %add3A_262 : i32 to index
      %get3A_264 = memref.load %arg0[%get3A_263] : memref<30000xf32, #tpu.memory_space<smem>>
      %add3A_265 = arith.constant 3 : i32
      %add3A_266 = arith.addi %mul3A_254, %add3A_265 : i32
      %get3A_267 = arith.index_cast %add3A_266 : i32 to index
      %get3A_268 = memref.load %arg0[%get3A_267] : memref<30000xf32, #tpu.memory_space<smem>>
      %add3A_269 = arith.constant 4 : i32
      %add3A_270 = arith.addi %mul3A_254, %add3A_269 : i32
      %get3A_271 = arith.index_cast %add3A_270 : i32 to index
      %get3A_272 = memref.load %arg0[%get3A_271] : memref<30000xf32, #tpu.memory_space<smem>>
      %add3A_273 = arith.constant 5 : i32
      %add3A_274 = arith.addi %mul3A_254, %add3A_273 : i32
      %get3A_275 = arith.index_cast %add3A_274 : i32 to index
      %get3A_276 = memref.load %arg0[%get3A_275] : memref<30000xf32, #tpu.memory_space<smem>>
      %max3A_277 = vector.broadcast %get3A_256 : f32 to vector<8x128xf32>
      %max3A_278 = arith.maximumf %get3A_4, %max3A_277 : vector<8x128xf32>
      %max3A_279 = vector.broadcast %get3A_260 : f32 to vector<8x128xf32>
      %max3A_280 = arith.maximumf %get3A_19, %max3A_279 : vector<8x128xf32>
      %min3A_281 = vector.broadcast %get3A_264 : f32 to vector<8x128xf32>
      %min3A_282 = arith.minimumf %get3A_34, %min3A_281 : vector<8x128xf32>
      %min3A_283 = vector.broadcast %get3A_268 : f32 to vector<8x128xf32>
      %min3A_284 = arith.minimumf %get3A_49, %min3A_283 : vector<8x128xf32>
      %sub3A_285 = arith.subf %min3A_282, %max3A_278 : vector<8x128xf32>
      %max3A_286 = arith.constant 0.000000e+00 : f32
      %max3A_287 = vector.broadcast %max3A_286 : f32 to vector<8x128xf32>
      %max3A_288 = arith.maximumf %sub3A_285, %max3A_287 : vector<8x128xf32>
      %sub3A_289 = arith.subf %min3A_284, %max3A_280 : vector<8x128xf32>
      %max3A_290 = arith.constant 0.000000e+00 : f32
      %max3A_291 = vector.broadcast %max3A_290 : f32 to vector<8x128xf32>
      %max3A_292 = arith.maximumf %sub3A_289, %max3A_291 : vector<8x128xf32>
      %mul3A_293 = arith.mulf %max3A_288, %max3A_292 : vector<8x128xf32>
      %add3A_294 = vector.broadcast %get3A_272 : f32 to vector<8x128xf32>
      %add3A_295 = arith.addf %add3A_294, %mul3A_77 : vector<8x128xf32>
      %sub3A_296 = arith.subf %add3A_295, %mul3A_293 : vector<8x128xf32>
      %ge3A = vector.broadcast %get3A_276 : f32 to vector<8x128xf32>
      %ge3A_297 = arith.cmpf oge, %ge3A, %get3A_64 : vector<8x128xf32>
      %jit3A_298 = arith.constant 1.000000e+00 : f32
      %jit3A_299 = arith.constant 0.000000e+00 : f32
      %broadcast_in_dim3A_300 = vector.broadcast %jit3A_298 : f32 to vector<8x128xf32>
      %broadcast_in_dim3A_301 = vector.broadcast %jit3A_299 : f32 to vector<8x128xf32>
      %select_n3A_302 = arith.select %ge3A_297, %broadcast_in_dim3A_300, %broadcast_in_dim3A_301 : vector<8x128xi1>, vector<8x128xf32>
      %mul3A_303 = arith.mulf %mul3A_293, %select_n3A_302 : vector<8x128xf32>
      %add3A_304 = arith.addf %scan3A_185, %select_n3A_302 : vector<8x128xf32>
      %div3A_305 = arith.divf %scan3A_193, %scan3A_194 : vector<8x128xf32>
      %max3A_306 = arith.maximumf %scan3A_181, %div3A_305 : vector<8x128xf32>
      %mul3A_307 = arith.constant 6 : i32
      %mul3A_308 = arith.muli %scan3A_178, %mul3A_307 : i32
      %get3A_309 = arith.index_cast %mul3A_308 : i32 to index
      %get3A_310 = memref.load %arg0[%get3A_309] : memref<30000xf32, #tpu.memory_space<smem>>
      %add3A_311 = arith.constant 1 : i32
      %add3A_312 = arith.addi %mul3A_308, %add3A_311 : i32
      %get3A_313 = arith.index_cast %add3A_312 : i32 to index
      %get3A_314 = memref.load %arg0[%get3A_313] : memref<30000xf32, #tpu.memory_space<smem>>
      %add3A_315 = arith.constant 2 : i32
      %add3A_316 = arith.addi %mul3A_308, %add3A_315 : i32
      %get3A_317 = arith.index_cast %add3A_316 : i32 to index
      %get3A_318 = memref.load %arg0[%get3A_317] : memref<30000xf32, #tpu.memory_space<smem>>
      %add3A_319 = arith.constant 3 : i32
      %add3A_320 = arith.addi %mul3A_308, %add3A_319 : i32
      %get3A_321 = arith.index_cast %add3A_320 : i32 to index
      %get3A_322 = memref.load %arg0[%get3A_321] : memref<30000xf32, #tpu.memory_space<smem>>
      %add3A_323 = arith.constant 4 : i32
      %add3A_324 = arith.addi %mul3A_308, %add3A_323 : i32
      %get3A_325 = arith.index_cast %add3A_324 : i32 to index
      %get3A_326 = memref.load %arg0[%get3A_325] : memref<30000xf32, #tpu.memory_space<smem>>
      %add3A_327 = arith.constant 5 : i32
      %add3A_328 = arith.addi %mul3A_308, %add3A_327 : i32
      %get3A_329 = arith.index_cast %add3A_328 : i32 to index
      %get3A_330 = memref.load %arg0[%get3A_329] : memref<30000xf32, #tpu.memory_space<smem>>
      %max3A_331 = vector.broadcast %get3A_310 : f32 to vector<8x128xf32>
      %max3A_332 = arith.maximumf %get3A_7, %max3A_331 : vector<8x128xf32>
      %max3A_333 = vector.broadcast %get3A_314 : f32 to vector<8x128xf32>
      %max3A_334 = arith.maximumf %get3A_22, %max3A_333 : vector<8x128xf32>
      %min3A_335 = vector.broadcast %get3A_318 : f32 to vector<8x128xf32>
      %min3A_336 = arith.minimumf %get3A_37, %min3A_335 : vector<8x128xf32>
      %min3A_337 = vector.broadcast %get3A_322 : f32 to vector<8x128xf32>
      %min3A_338 = arith.minimumf %get3A_52, %min3A_337 : vector<8x128xf32>
      %sub3A_339 = arith.subf %min3A_336, %max3A_332 : vector<8x128xf32>
      %max3A_340 = arith.constant 0.000000e+00 : f32
      %max3A_341 = vector.broadcast %max3A_340 : f32 to vector<8x128xf32>
      %max3A_342 = arith.maximumf %sub3A_339, %max3A_341 : vector<8x128xf32>
      %sub3A_343 = arith.subf %min3A_338, %max3A_334 : vector<8x128xf32>
      %max3A_344 = arith.constant 0.000000e+00 : f32
      %max3A_345 = vector.broadcast %max3A_344 : f32 to vector<8x128xf32>
      %max3A_346 = arith.maximumf %sub3A_343, %max3A_345 : vector<8x128xf32>
      %mul3A_347 = arith.mulf %max3A_342, %max3A_346 : vector<8x128xf32>
      %add3A_348 = vector.broadcast %get3A_326 : f32 to vector<8x128xf32>
      %add3A_349 = arith.addf %add3A_348, %mul3A_80 : vector<8x128xf32>
      %sub3A_350 = arith.subf %add3A_349, %mul3A_347 : vector<8x128xf32>
      %ge3A_351 = vector.broadcast %get3A_330 : f32 to vector<8x128xf32>
      %ge3A_352 = arith.cmpf oge, %ge3A_351, %get3A_67 : vector<8x128xf32>
      %jit3A_353 = arith.constant 1.000000e+00 : f32
      %jit3A_354 = arith.constant 0.000000e+00 : f32
      %broadcast_in_dim3A_355 = vector.broadcast %jit3A_353 : f32 to vector<8x128xf32>
      %broadcast_in_dim3A_356 = vector.broadcast %jit3A_354 : f32 to vector<8x128xf32>
      %select_n3A_357 = arith.select %ge3A_352, %broadcast_in_dim3A_355, %broadcast_in_dim3A_356 : vector<8x128xi1>, vector<8x128xf32>
      %mul3A_358 = arith.mulf %mul3A_347, %select_n3A_357 : vector<8x128xf32>
      %add3A_359 = arith.addf %scan3A_186, %select_n3A_357 : vector<8x128xf32>
      %div3A_360 = arith.divf %scan3A_195, %scan3A_196 : vector<8x128xf32>
      %max3A_361 = arith.maximumf %scan3A_182, %div3A_360 : vector<8x128xf32>
      %mul3A_362 = arith.constant 6 : i32
      %mul3A_363 = arith.muli %scan3A_178, %mul3A_362 : i32
      %get3A_364 = arith.index_cast %mul3A_363 : i32 to index
      %get3A_365 = memref.load %arg0[%get3A_364] : memref<30000xf32, #tpu.memory_space<smem>>
      %add3A_366 = arith.constant 1 : i32
      %add3A_367 = arith.addi %mul3A_363, %add3A_366 : i32
      %get3A_368 = arith.index_cast %add3A_367 : i32 to index
      %get3A_369 = memref.load %arg0[%get3A_368] : memref<30000xf32, #tpu.memory_space<smem>>
      %add3A_370 = arith.constant 2 : i32
      %add3A_371 = arith.addi %mul3A_363, %add3A_370 : i32
      %get3A_372 = arith.index_cast %add3A_371 : i32 to index
      %get3A_373 = memref.load %arg0[%get3A_372] : memref<30000xf32, #tpu.memory_space<smem>>
      %add3A_374 = arith.constant 3 : i32
      %add3A_375 = arith.addi %mul3A_363, %add3A_374 : i32
      %get3A_376 = arith.index_cast %add3A_375 : i32 to index
      %get3A_377 = memref.load %arg0[%get3A_376] : memref<30000xf32, #tpu.memory_space<smem>>
      %add3A_378 = arith.constant 4 : i32
      %add3A_379 = arith.addi %mul3A_363, %add3A_378 : i32
      %get3A_380 = arith.index_cast %add3A_379 : i32 to index
      %get3A_381 = memref.load %arg0[%get3A_380] : memref<30000xf32, #tpu.memory_space<smem>>
      %add3A_382 = arith.constant 5 : i32
      %add3A_383 = arith.addi %mul3A_363, %add3A_382 : i32
      %get3A_384 = arith.index_cast %add3A_383 : i32 to index
      %get3A_385 = memref.load %arg0[%get3A_384] : memref<30000xf32, #tpu.memory_space<smem>>
      %max3A_386 = vector.broadcast %get3A_365 : f32 to vector<8x128xf32>
      %max3A_387 = arith.maximumf %get3A_10, %max3A_386 : vector<8x128xf32>
      %max3A_388 = vector.broadcast %get3A_369 : f32 to vector<8x128xf32>
      %max3A_389 = arith.maximumf %get3A_25, %max3A_388 : vector<8x128xf32>
      %min3A_390 = vector.broadcast %get3A_373 : f32 to vector<8x128xf32>
      %min3A_391 = arith.minimumf %get3A_40, %min3A_390 : vector<8x128xf32>
      %min3A_392 = vector.broadcast %get3A_377 : f32 to vector<8x128xf32>
      %min3A_393 = arith.minimumf %get3A_55, %min3A_392 : vector<8x128xf32>
      %sub3A_394 = arith.subf %min3A_391, %max3A_387 : vector<8x128xf32>
      %max3A_395 = arith.constant 0.000000e+00 : f32
      %max3A_396 = vector.broadcast %max3A_395 : f32 to vector<8x128xf32>
      %max3A_397 = arith.maximumf %sub3A_394, %max3A_396 : vector<8x128xf32>
      %sub3A_398 = arith.subf %min3A_393, %max3A_389 : vector<8x128xf32>
      %max3A_399 = arith.constant 0.000000e+00 : f32
      %max3A_400 = vector.broadcast %max3A_399 : f32 to vector<8x128xf32>
      %max3A_401 = arith.maximumf %sub3A_398, %max3A_400 : vector<8x128xf32>
      %mul3A_402 = arith.mulf %max3A_397, %max3A_401 : vector<8x128xf32>
      %add3A_403 = vector.broadcast %get3A_381 : f32 to vector<8x128xf32>
      %add3A_404 = arith.addf %add3A_403, %mul3A_83 : vector<8x128xf32>
      %sub3A_405 = arith.subf %add3A_404, %mul3A_402 : vector<8x128xf32>
      %ge3A_406 = vector.broadcast %get3A_385 : f32 to vector<8x128xf32>
      %ge3A_407 = arith.cmpf oge, %ge3A_406, %get3A_70 : vector<8x128xf32>
      %jit3A_408 = arith.constant 1.000000e+00 : f32
      %jit3A_409 = arith.constant 0.000000e+00 : f32
      %broadcast_in_dim3A_410 = vector.broadcast %jit3A_408 : f32 to vector<8x128xf32>
      %broadcast_in_dim3A_411 = vector.broadcast %jit3A_409 : f32 to vector<8x128xf32>
      %select_n3A_412 = arith.select %ge3A_407, %broadcast_in_dim3A_410, %broadcast_in_dim3A_411 : vector<8x128xi1>, vector<8x128xf32>
      %mul3A_413 = arith.mulf %mul3A_402, %select_n3A_412 : vector<8x128xf32>
      %add3A_414 = arith.addf %scan3A_187, %select_n3A_412 : vector<8x128xf32>
      %div3A_415 = arith.divf %scan3A_197, %scan3A_198 : vector<8x128xf32>
      %max3A_416 = arith.maximumf %scan3A_183, %div3A_415 : vector<8x128xf32>
      %mul3A_417 = arith.constant 6 : i32
      %mul3A_418 = arith.muli %scan3A_178, %mul3A_417 : i32
      %get3A_419 = arith.index_cast %mul3A_418 : i32 to index
      %get3A_420 = memref.load %arg0[%get3A_419] : memref<30000xf32, #tpu.memory_space<smem>>
      %add3A_421 = arith.constant 1 : i32
      %add3A_422 = arith.addi %mul3A_418, %add3A_421 : i32
      %get3A_423 = arith.index_cast %add3A_422 : i32 to index
      %get3A_424 = memref.load %arg0[%get3A_423] : memref<30000xf32, #tpu.memory_space<smem>>
      %add3A_425 = arith.constant 2 : i32
      %add3A_426 = arith.addi %mul3A_418, %add3A_425 : i32
      %get3A_427 = arith.index_cast %add3A_426 : i32 to index
      %get3A_428 = memref.load %arg0[%get3A_427] : memref<30000xf32, #tpu.memory_space<smem>>
      %add3A_429 = arith.constant 3 : i32
      %add3A_430 = arith.addi %mul3A_418, %add3A_429 : i32
      %get3A_431 = arith.index_cast %add3A_430 : i32 to index
      %get3A_432 = memref.load %arg0[%get3A_431] : memref<30000xf32, #tpu.memory_space<smem>>
      %add3A_433 = arith.constant 4 : i32
      %add3A_434 = arith.addi %mul3A_418, %add3A_433 : i32
      %get3A_435 = arith.index_cast %add3A_434 : i32 to index
      %get3A_436 = memref.load %arg0[%get3A_435] : memref<30000xf32, #tpu.memory_space<smem>>
      %add3A_437 = arith.constant 5 : i32
      %add3A_438 = arith.addi %mul3A_418, %add3A_437 : i32
      %get3A_439 = arith.index_cast %add3A_438 : i32 to index
      %get3A_440 = memref.load %arg0[%get3A_439] : memref<30000xf32, #tpu.memory_space<smem>>
      %max3A_441 = vector.broadcast %get3A_420 : f32 to vector<8x128xf32>
      %max3A_442 = arith.maximumf %get3A_13, %max3A_441 : vector<8x128xf32>
      %max3A_443 = vector.broadcast %get3A_424 : f32 to vector<8x128xf32>
      %max3A_444 = arith.maximumf %get3A_28, %max3A_443 : vector<8x128xf32>
      %min3A_445 = vector.broadcast %get3A_428 : f32 to vector<8x128xf32>
      %min3A_446 = arith.minimumf %get3A_43, %min3A_445 : vector<8x128xf32>
      %min3A_447 = vector.broadcast %get3A_432 : f32 to vector<8x128xf32>
      %min3A_448 = arith.minimumf %get3A_58, %min3A_447 : vector<8x128xf32>
      %sub3A_449 = arith.subf %min3A_446, %max3A_442 : vector<8x128xf32>
      %max3A_450 = arith.constant 0.000000e+00 : f32
      %max3A_451 = vector.broadcast %max3A_450 : f32 to vector<8x128xf32>
      %max3A_452 = arith.maximumf %sub3A_449, %max3A_451 : vector<8x128xf32>
      %sub3A_453 = arith.subf %min3A_448, %max3A_444 : vector<8x128xf32>
      %max3A_454 = arith.constant 0.000000e+00 : f32
      %max3A_455 = vector.broadcast %max3A_454 : f32 to vector<8x128xf32>
      %max3A_456 = arith.maximumf %sub3A_453, %max3A_455 : vector<8x128xf32>
      %mul3A_457 = arith.mulf %max3A_452, %max3A_456 : vector<8x128xf32>
      %add3A_458 = vector.broadcast %get3A_436 : f32 to vector<8x128xf32>
      %add3A_459 = arith.addf %add3A_458, %mul3A_86 : vector<8x128xf32>
      %sub3A_460 = arith.subf %add3A_459, %mul3A_457 : vector<8x128xf32>
      %ge3A_461 = vector.broadcast %get3A_440 : f32 to vector<8x128xf32>
      %ge3A_462 = arith.cmpf oge, %ge3A_461, %get3A_73 : vector<8x128xf32>
      %jit3A_463 = arith.constant 1.000000e+00 : f32
      %jit3A_464 = arith.constant 0.000000e+00 : f32
      %broadcast_in_dim3A_465 = vector.broadcast %jit3A_463 : f32 to vector<8x128xf32>
      %broadcast_in_dim3A_466 = vector.broadcast %jit3A_464 : f32 to vector<8x128xf32>
      %select_n3A_467 = arith.select %ge3A_462, %broadcast_in_dim3A_465, %broadcast_in_dim3A_466 : vector<8x128xi1>, vector<8x128xf32>
      %mul3A_468 = arith.mulf %mul3A_457, %select_n3A_467 : vector<8x128xf32>
      %add3A_469 = arith.addf %scan3A_188, %select_n3A_467 : vector<8x128xf32>
      scf.yield %max3A_200, %max3A_252, %max3A_306, %max3A_361, %max3A_416, %add3A_250, %add3A_304, %add3A_359, %add3A_414, %add3A_469, %mul3A_249, %sub3A_243, %mul3A_303, %sub3A_296, %mul3A_358, %sub3A_350, %mul3A_413, %sub3A_405, %mul3A_468, %sub3A_460 : vector<8x128xf32>, vector<8x128xf32>, vector<8x128xf32>, vector<8x128xf32>, vector<8x128xf32>, vector<8x128xf32>, vector<8x128xf32>, vector<8x128xf32>, vector<8x128xf32>, vector<8x128xf32>, vector<8x128xf32>, vector<8x128xf32>, vector<8x128xf32>, vector<8x128xf32>, vector<8x128xf32>, vector<8x128xf32>, vector<8x128xf32>, vector<8x128xf32>, vector<8x128xf32>, vector<8x128xf32>
    }
    %scan3A_104 = arith.constant 1024 : i32
    %add3A_105 = arith.constant 1024 : i32
    %add3A_106 = vector.broadcast %add3A_105 : i32 to vector<8x128xi32>
    %add3A_107 = arith.addi %add3A_96, %add3A_106 : vector<8x128xi32>
    %scan3A_108 = arith.constant 1024 : i32
    %scan3A_109 = arith.constant 1024 : i32
    %scan3A_110 = arith.addi %scan3A_108, %scan3A_109 : i32
    %scan3A_111 = arith.constant 1 : i32
    %scan3A_112:20 = scf.for %scan3A_178 = %scan3A_108 to %scan3A_110 step %scan3A_111 iter_args(%scan3A_179 = %scan3A_103#0, %scan3A_180 = %scan3A_103#1, %scan3A_181 = %scan3A_103#2, %scan3A_182 = %scan3A_103#3, %scan3A_183 = %scan3A_103#4, %scan3A_184 = %scan3A_103#5, %scan3A_185 = %scan3A_103#6, %scan3A_186 = %scan3A_103#7, %scan3A_187 = %scan3A_103#8, %scan3A_188 = %scan3A_103#9, %scan3A_189 = %scan3A_103#10, %scan3A_190 = %scan3A_103#11, %scan3A_191 = %scan3A_103#12, %scan3A_192 = %scan3A_103#13, %scan3A_193 = %scan3A_103#14, %scan3A_194 = %scan3A_103#15, %scan3A_195 = %scan3A_103#16, %scan3A_196 = %scan3A_103#17, %scan3A_197 = %scan3A_103#18, %scan3A_198 = %scan3A_103#19) -> (vector<8x128xf32>, vector<8x128xf32>, vector<8x128xf32>, vector<8x128xf32>, vector<8x128xf32>, vector<8x128xf32>, vector<8x128xf32>, vector<8x128xf32>, vector<8x128xf32>, vector<8x128xf32>, vector<8x128xf32>, vector<8x128xf32>, vector<8x128xf32>, vector<8x128xf32>, vector<8x128xf32>, vector<8x128xf32>, vector<8x128xf32>, vector<8x128xf32>, vector<8x128xf32>, vector<8x128xf32>)  : i32 {
      %div3A_199 = arith.divf %scan3A_189, %scan3A_190 : vector<8x128xf32>
      %max3A_200 = arith.maximumf %scan3A_179, %div3A_199 : vector<8x128xf32>
      %mul3A_201 = arith.constant 6 : i32
      %mul3A_202 = arith.muli %scan3A_178, %mul3A_201 : i32
      %get3A_203 = arith.index_cast %mul3A_202 : i32 to index
      %get3A_204 = memref.load %arg0[%get3A_203] : memref<30000xf32, #tpu.memory_space<smem>>
      %add3A_205 = arith.constant 1 : i32
      %add3A_206 = arith.addi %mul3A_202, %add3A_205 : i32
      %get3A_207 = arith.index_cast %add3A_206 : i32 to index
      %get3A_208 = memref.load %arg0[%get3A_207] : memref<30000xf32, #tpu.memory_space<smem>>
      %add3A_209 = arith.constant 2 : i32
      %add3A_210 = arith.addi %mul3A_202, %add3A_209 : i32
      %get3A_211 = arith.index_cast %add3A_210 : i32 to index
      %get3A_212 = memref.load %arg0[%get3A_211] : memref<30000xf32, #tpu.memory_space<smem>>
      %add3A_213 = arith.constant 3 : i32
      %add3A_214 = arith.addi %mul3A_202, %add3A_213 : i32
      %get3A_215 = arith.index_cast %add3A_214 : i32 to index
      %get3A_216 = memref.load %arg0[%get3A_215] : memref<30000xf32, #tpu.memory_space<smem>>
      %add3A_217 = arith.constant 4 : i32
      %add3A_218 = arith.addi %mul3A_202, %add3A_217 : i32
      %get3A_219 = arith.index_cast %add3A_218 : i32 to index
      %get3A_220 = memref.load %arg0[%get3A_219] : memref<30000xf32, #tpu.memory_space<smem>>
      %add3A_221 = arith.constant 5 : i32
      %add3A_222 = arith.addi %mul3A_202, %add3A_221 : i32
      %get3A_223 = arith.index_cast %add3A_222 : i32 to index
      %get3A_224 = memref.load %arg0[%get3A_223] : memref<30000xf32, #tpu.memory_space<smem>>
      %max3A_225 = vector.broadcast %get3A_204 : f32 to vector<8x128xf32>
      %max3A_226 = arith.maximumf %get3A_1, %max3A_225 : vector<8x128xf32>
      %max3A_227 = vector.broadcast %get3A_208 : f32 to vector<8x128xf32>
      %max3A_228 = arith.maximumf %get3A_16, %max3A_227 : vector<8x128xf32>
      %min3A = vector.broadcast %get3A_212 : f32 to vector<8x128xf32>
      %min3A_229 = arith.minimumf %get3A_31, %min3A : vector<8x128xf32>
      %min3A_230 = vector.broadcast %get3A_216 : f32 to vector<8x128xf32>
      %min3A_231 = arith.minimumf %get3A_46, %min3A_230 : vector<8x128xf32>
      %sub3A_232 = arith.subf %min3A_229, %max3A_226 : vector<8x128xf32>
      %max3A_233 = arith.constant 0.000000e+00 : f32
      %max3A_234 = vector.broadcast %max3A_233 : f32 to vector<8x128xf32>
      %max3A_235 = arith.maximumf %sub3A_232, %max3A_234 : vector<8x128xf32>
      %sub3A_236 = arith.subf %min3A_231, %max3A_228 : vector<8x128xf32>
      %max3A_237 = arith.constant 0.000000e+00 : f32
      %max3A_238 = vector.broadcast %max3A_237 : f32 to vector<8x128xf32>
      %max3A_239 = arith.maximumf %sub3A_236, %max3A_238 : vector<8x128xf32>
      %mul3A_240 = arith.mulf %max3A_235, %max3A_239 : vector<8x128xf32>
      %add3A_241 = vector.broadcast %get3A_220 : f32 to vector<8x128xf32>
      %add3A_242 = arith.addf %add3A_241, %mul3A : vector<8x128xf32>
      %sub3A_243 = arith.subf %add3A_242, %mul3A_240 : vector<8x128xf32>
      %gt3A = vector.broadcast %get3A_224 : f32 to vector<8x128xf32>
      %gt3A_244 = arith.cmpf ogt, %gt3A, %get3A_61 : vector<8x128xf32>
      %jit3A = arith.constant 1.000000e+00 : f32
      %jit3A_245 = arith.constant 0.000000e+00 : f32
      %broadcast_in_dim3A = vector.broadcast %jit3A : f32 to vector<8x128xf32>
      %broadcast_in_dim3A_246 = vector.broadcast %jit3A_245 : f32 to vector<8x128xf32>
      %select_n3A = arith.select %gt3A_244, %broadcast_in_dim3A, %broadcast_in_dim3A_246 : vector<8x128xi1>, vector<8x128xf32>
      %mul3A_247 = arith.mulf %mul3A_240, %select_n3A : vector<8x128xf32>
      %add3A_248 = arith.addf %scan3A_184, %select_n3A : vector<8x128xf32>
      %div3A_249 = arith.divf %scan3A_191, %scan3A_192 : vector<8x128xf32>
      %max3A_250 = arith.maximumf %scan3A_180, %div3A_249 : vector<8x128xf32>
      %mul3A_251 = arith.constant 6 : i32
      %mul3A_252 = arith.muli %scan3A_178, %mul3A_251 : i32
      %get3A_253 = arith.index_cast %mul3A_252 : i32 to index
      %get3A_254 = memref.load %arg0[%get3A_253] : memref<30000xf32, #tpu.memory_space<smem>>
      %add3A_255 = arith.constant 1 : i32
      %add3A_256 = arith.addi %mul3A_252, %add3A_255 : i32
      %get3A_257 = arith.index_cast %add3A_256 : i32 to index
      %get3A_258 = memref.load %arg0[%get3A_257] : memref<30000xf32, #tpu.memory_space<smem>>
      %add3A_259 = arith.constant 2 : i32
      %add3A_260 = arith.addi %mul3A_252, %add3A_259 : i32
      %get3A_261 = arith.index_cast %add3A_260 : i32 to index
      %get3A_262 = memref.load %arg0[%get3A_261] : memref<30000xf32, #tpu.memory_space<smem>>
      %add3A_263 = arith.constant 3 : i32
      %add3A_264 = arith.addi %mul3A_252, %add3A_263 : i32
      %get3A_265 = arith.index_cast %add3A_264 : i32 to index
      %get3A_266 = memref.load %arg0[%get3A_265] : memref<30000xf32, #tpu.memory_space<smem>>
      %add3A_267 = arith.constant 4 : i32
      %add3A_268 = arith.addi %mul3A_252, %add3A_267 : i32
      %get3A_269 = arith.index_cast %add3A_268 : i32 to index
      %get3A_270 = memref.load %arg0[%get3A_269] : memref<30000xf32, #tpu.memory_space<smem>>
      %add3A_271 = arith.constant 5 : i32
      %add3A_272 = arith.addi %mul3A_252, %add3A_271 : i32
      %get3A_273 = arith.index_cast %add3A_272 : i32 to index
      %get3A_274 = memref.load %arg0[%get3A_273] : memref<30000xf32, #tpu.memory_space<smem>>
      %max3A_275 = vector.broadcast %get3A_254 : f32 to vector<8x128xf32>
      %max3A_276 = arith.maximumf %get3A_4, %max3A_275 : vector<8x128xf32>
      %max3A_277 = vector.broadcast %get3A_258 : f32 to vector<8x128xf32>
      %max3A_278 = arith.maximumf %get3A_19, %max3A_277 : vector<8x128xf32>
      %min3A_279 = vector.broadcast %get3A_262 : f32 to vector<8x128xf32>
      %min3A_280 = arith.minimumf %get3A_34, %min3A_279 : vector<8x128xf32>
      %min3A_281 = vector.broadcast %get3A_266 : f32 to vector<8x128xf32>
      %min3A_282 = arith.minimumf %get3A_49, %min3A_281 : vector<8x128xf32>
      %sub3A_283 = arith.subf %min3A_280, %max3A_276 : vector<8x128xf32>
      %max3A_284 = arith.constant 0.000000e+00 : f32
      %max3A_285 = vector.broadcast %max3A_284 : f32 to vector<8x128xf32>
      %max3A_286 = arith.maximumf %sub3A_283, %max3A_285 : vector<8x128xf32>
      %sub3A_287 = arith.subf %min3A_282, %max3A_278 : vector<8x128xf32>
      %max3A_288 = arith.constant 0.000000e+00 : f32
      %max3A_289 = vector.broadcast %max3A_288 : f32 to vector<8x128xf32>
      %max3A_290 = arith.maximumf %sub3A_287, %max3A_289 : vector<8x128xf32>
      %mul3A_291 = arith.mulf %max3A_286, %max3A_290 : vector<8x128xf32>
      %add3A_292 = vector.broadcast %get3A_270 : f32 to vector<8x128xf32>
      %add3A_293 = arith.addf %add3A_292, %mul3A_77 : vector<8x128xf32>
      %sub3A_294 = arith.subf %add3A_293, %mul3A_291 : vector<8x128xf32>
      %gt3A_295 = vector.broadcast %get3A_274 : f32 to vector<8x128xf32>
      %gt3A_296 = arith.cmpf ogt, %gt3A_295, %get3A_64 : vector<8x128xf32>
      %eq3A = vector.broadcast %get3A_274 : f32 to vector<8x128xf32>
      %eq3A_297 = arith.cmpf oeq, %eq3A, %get3A_64 : vector<8x128xf32>
      %lt3A = vector.broadcast %scan3A_178 : i32 to vector<8x128xi32>
      %lt3A_298 = arith.cmpi slt, %lt3A, %add3A_107 : vector<8x128xi32>
      %and3A = arith.andi %eq3A_297, %lt3A_298 : vector<8x128xi1>
      %or3A = arith.ori %gt3A_296, %and3A : vector<8x128xi1>
      %jit3A_299 = arith.constant 1.000000e+00 : f32
      %jit3A_300 = arith.constant 0.000000e+00 : f32
      %broadcast_in_dim3A_301 = vector.broadcast %jit3A_299 : f32 to vector<8x128xf32>
      %broadcast_in_dim3A_302 = vector.broadcast %jit3A_300 : f32 to vector<8x128xf32>
      %select_n3A_303 = arith.select %or3A, %broadcast_in_dim3A_301, %broadcast_in_dim3A_302 : vector<8x128xi1>, vector<8x128xf32>
      %mul3A_304 = arith.mulf %mul3A_291, %select_n3A_303 : vector<8x128xf32>
      %add3A_305 = arith.addf %scan3A_185, %select_n3A_303 : vector<8x128xf32>
      %div3A_306 = arith.divf %scan3A_193, %scan3A_194 : vector<8x128xf32>
      %max3A_307 = arith.maximumf %scan3A_181, %div3A_306 : vector<8x128xf32>
      %mul3A_308 = arith.constant 6 : i32
      %mul3A_309 = arith.muli %scan3A_178, %mul3A_308 : i32
      %get3A_310 = arith.index_cast %mul3A_309 : i32 to index
      %get3A_311 = memref.load %arg0[%get3A_310] : memref<30000xf32, #tpu.memory_space<smem>>
      %add3A_312 = arith.constant 1 : i32
      %add3A_313 = arith.addi %mul3A_309, %add3A_312 : i32
      %get3A_314 = arith.index_cast %add3A_313 : i32 to index
      %get3A_315 = memref.load %arg0[%get3A_314] : memref<30000xf32, #tpu.memory_space<smem>>
      %add3A_316 = arith.constant 2 : i32
      %add3A_317 = arith.addi %mul3A_309, %add3A_316 : i32
      %get3A_318 = arith.index_cast %add3A_317 : i32 to index
      %get3A_319 = memref.load %arg0[%get3A_318] : memref<30000xf32, #tpu.memory_space<smem>>
      %add3A_320 = arith.constant 3 : i32
      %add3A_321 = arith.addi %mul3A_309, %add3A_320 : i32
      %get3A_322 = arith.index_cast %add3A_321 : i32 to index
      %get3A_323 = memref.load %arg0[%get3A_322] : memref<30000xf32, #tpu.memory_space<smem>>
      %add3A_324 = arith.constant 4 : i32
      %add3A_325 = arith.addi %mul3A_309, %add3A_324 : i32
      %get3A_326 = arith.index_cast %add3A_325 : i32 to index
      %get3A_327 = memref.load %arg0[%get3A_326] : memref<30000xf32, #tpu.memory_space<smem>>
      %add3A_328 = arith.constant 5 : i32
      %add3A_329 = arith.addi %mul3A_309, %add3A_328 : i32
      %get3A_330 = arith.index_cast %add3A_329 : i32 to index
      %get3A_331 = memref.load %arg0[%get3A_330] : memref<30000xf32, #tpu.memory_space<smem>>
      %max3A_332 = vector.broadcast %get3A_311 : f32 to vector<8x128xf32>
      %max3A_333 = arith.maximumf %get3A_7, %max3A_332 : vector<8x128xf32>
      %max3A_334 = vector.broadcast %get3A_315 : f32 to vector<8x128xf32>
      %max3A_335 = arith.maximumf %get3A_22, %max3A_334 : vector<8x128xf32>
      %min3A_336 = vector.broadcast %get3A_319 : f32 to vector<8x128xf32>
      %min3A_337 = arith.minimumf %get3A_37, %min3A_336 : vector<8x128xf32>
      %min3A_338 = vector.broadcast %get3A_323 : f32 to vector<8x128xf32>
      %min3A_339 = arith.minimumf %get3A_52, %min3A_338 : vector<8x128xf32>
      %sub3A_340 = arith.subf %min3A_337, %max3A_333 : vector<8x128xf32>
      %max3A_341 = arith.constant 0.000000e+00 : f32
      %max3A_342 = vector.broadcast %max3A_341 : f32 to vector<8x128xf32>
      %max3A_343 = arith.maximumf %sub3A_340, %max3A_342 : vector<8x128xf32>
      %sub3A_344 = arith.subf %min3A_339, %max3A_335 : vector<8x128xf32>
      %max3A_345 = arith.constant 0.000000e+00 : f32
      %max3A_346 = vector.broadcast %max3A_345 : f32 to vector<8x128xf32>
      %max3A_347 = arith.maximumf %sub3A_344, %max3A_346 : vector<8x128xf32>
      %mul3A_348 = arith.mulf %max3A_343, %max3A_347 : vector<8x128xf32>
      %add3A_349 = vector.broadcast %get3A_327 : f32 to vector<8x128xf32>
      %add3A_350 = arith.addf %add3A_349, %mul3A_80 : vector<8x128xf32>
      %sub3A_351 = arith.subf %add3A_350, %mul3A_348 : vector<8x128xf32>
      %ge3A = vector.broadcast %get3A_331 : f32 to vector<8x128xf32>
      %ge3A_352 = arith.cmpf oge, %ge3A, %get3A_67 : vector<8x128xf32>
      %jit3A_353 = arith.constant 1.000000e+00 : f32
      %jit3A_354 = arith.constant 0.000000e+00 : f32
      %broadcast_in_dim3A_355 = vector.broadcast %jit3A_353 : f32 to vector<8x128xf32>
      %broadcast_in_dim3A_356 = vector.broadcast %jit3A_354 : f32 to vector<8x128xf32>
      %select_n3A_357 = arith.select %ge3A_352, %broadcast_in_dim3A_355, %broadcast_in_dim3A_356 : vector<8x128xi1>, vector<8x128xf32>
      %mul3A_358 = arith.mulf %mul3A_348, %select_n3A_357 : vector<8x128xf32>
      %add3A_359 = arith.addf %scan3A_186, %select_n3A_357 : vector<8x128xf32>
      %div3A_360 = arith.divf %scan3A_195, %scan3A_196 : vector<8x128xf32>
      %max3A_361 = arith.maximumf %scan3A_182, %div3A_360 : vector<8x128xf32>
      %mul3A_362 = arith.constant 6 : i32
      %mul3A_363 = arith.muli %scan3A_178, %mul3A_362 : i32
      %get3A_364 = arith.index_cast %mul3A_363 : i32 to index
      %get3A_365 = memref.load %arg0[%get3A_364] : memref<30000xf32, #tpu.memory_space<smem>>
      %add3A_366 = arith.constant 1 : i32
      %add3A_367 = arith.addi %mul3A_363, %add3A_366 : i32
      %get3A_368 = arith.index_cast %add3A_367 : i32 to index
      %get3A_369 = memref.load %arg0[%get3A_368] : memref<30000xf32, #tpu.memory_space<smem>>
      %add3A_370 = arith.constant 2 : i32
      %add3A_371 = arith.addi %mul3A_363, %add3A_370 : i32
      %get3A_372 = arith.index_cast %add3A_371 : i32 to index
      %get3A_373 = memref.load %arg0[%get3A_372] : memref<30000xf32, #tpu.memory_space<smem>>
      %add3A_374 = arith.constant 3 : i32
      %add3A_375 = arith.addi %mul3A_363, %add3A_374 : i32
      %get3A_376 = arith.index_cast %add3A_375 : i32 to index
      %get3A_377 = memref.load %arg0[%get3A_376] : memref<30000xf32, #tpu.memory_space<smem>>
      %add3A_378 = arith.constant 4 : i32
      %add3A_379 = arith.addi %mul3A_363, %add3A_378 : i32
      %get3A_380 = arith.index_cast %add3A_379 : i32 to index
      %get3A_381 = memref.load %arg0[%get3A_380] : memref<30000xf32, #tpu.memory_space<smem>>
      %add3A_382 = arith.constant 5 : i32
      %add3A_383 = arith.addi %mul3A_363, %add3A_382 : i32
      %get3A_384 = arith.index_cast %add3A_383 : i32 to index
      %get3A_385 = memref.load %arg0[%get3A_384] : memref<30000xf32, #tpu.memory_space<smem>>
      %max3A_386 = vector.broadcast %get3A_365 : f32 to vector<8x128xf32>
      %max3A_387 = arith.maximumf %get3A_10, %max3A_386 : vector<8x128xf32>
      %max3A_388 = vector.broadcast %get3A_369 : f32 to vector<8x128xf32>
      %max3A_389 = arith.maximumf %get3A_25, %max3A_388 : vector<8x128xf32>
      %min3A_390 = vector.broadcast %get3A_373 : f32 to vector<8x128xf32>
      %min3A_391 = arith.minimumf %get3A_40, %min3A_390 : vector<8x128xf32>
      %min3A_392 = vector.broadcast %get3A_377 : f32 to vector<8x128xf32>
      %min3A_393 = arith.minimumf %get3A_55, %min3A_392 : vector<8x128xf32>
      %sub3A_394 = arith.subf %min3A_391, %max3A_387 : vector<8x128xf32>
      %max3A_395 = arith.constant 0.000000e+00 : f32
      %max3A_396 = vector.broadcast %max3A_395 : f32 to vector<8x128xf32>
      %max3A_397 = arith.maximumf %sub3A_394, %max3A_396 : vector<8x128xf32>
      %sub3A_398 = arith.subf %min3A_393, %max3A_389 : vector<8x128xf32>
      %max3A_399 = arith.constant 0.000000e+00 : f32
      %max3A_400 = vector.broadcast %max3A_399 : f32 to vector<8x128xf32>
      %max3A_401 = arith.maximumf %sub3A_398, %max3A_400 : vector<8x128xf32>
      %mul3A_402 = arith.mulf %max3A_397, %max3A_401 : vector<8x128xf32>
      %add3A_403 = vector.broadcast %get3A_381 : f32 to vector<8x128xf32>
      %add3A_404 = arith.addf %add3A_403, %mul3A_83 : vector<8x128xf32>
      %sub3A_405 = arith.subf %add3A_404, %mul3A_402 : vector<8x128xf32>
      %ge3A_406 = vector.broadcast %get3A_385 : f32 to vector<8x128xf32>
      %ge3A_407 = arith.cmpf oge, %ge3A_406, %get3A_70 : vector<8x128xf32>
      %jit3A_408 = arith.constant 1.000000e+00 : f32
      %jit3A_409 = arith.constant 0.000000e+00 : f32
      %broadcast_in_dim3A_410 = vector.broadcast %jit3A_408 : f32 to vector<8x128xf32>
      %broadcast_in_dim3A_411 = vector.broadcast %jit3A_409 : f32 to vector<8x128xf32>
      %select_n3A_412 = arith.select %ge3A_407, %broadcast_in_dim3A_410, %broadcast_in_dim3A_411 : vector<8x128xi1>, vector<8x128xf32>
      %mul3A_413 = arith.mulf %mul3A_402, %select_n3A_412 : vector<8x128xf32>
      %add3A_414 = arith.addf %scan3A_187, %select_n3A_412 : vector<8x128xf32>
      %div3A_415 = arith.divf %scan3A_197, %scan3A_198 : vector<8x128xf32>
      %max3A_416 = arith.maximumf %scan3A_183, %div3A_415 : vector<8x128xf32>
      %mul3A_417 = arith.constant 6 : i32
      %mul3A_418 = arith.muli %scan3A_178, %mul3A_417 : i32
      %get3A_419 = arith.index_cast %mul3A_418 : i32 to index
      %get3A_420 = memref.load %arg0[%get3A_419] : memref<30000xf32, #tpu.memory_space<smem>>
      %add3A_421 = arith.constant 1 : i32
      %add3A_422 = arith.addi %mul3A_418, %add3A_421 : i32
      %get3A_423 = arith.index_cast %add3A_422 : i32 to index
      %get3A_424 = memref.load %arg0[%get3A_423] : memref<30000xf32, #tpu.memory_space<smem>>
      %add3A_425 = arith.constant 2 : i32
      %add3A_426 = arith.addi %mul3A_418, %add3A_425 : i32
      %get3A_427 = arith.index_cast %add3A_426 : i32 to index
      %get3A_428 = memref.load %arg0[%get3A_427] : memref<30000xf32, #tpu.memory_space<smem>>
      %add3A_429 = arith.constant 3 : i32
      %add3A_430 = arith.addi %mul3A_418, %add3A_429 : i32
      %get3A_431 = arith.index_cast %add3A_430 : i32 to index
      %get3A_432 = memref.load %arg0[%get3A_431] : memref<30000xf32, #tpu.memory_space<smem>>
      %add3A_433 = arith.constant 4 : i32
      %add3A_434 = arith.addi %mul3A_418, %add3A_433 : i32
      %get3A_435 = arith.index_cast %add3A_434 : i32 to index
      %get3A_436 = memref.load %arg0[%get3A_435] : memref<30000xf32, #tpu.memory_space<smem>>
      %add3A_437 = arith.constant 5 : i32
      %add3A_438 = arith.addi %mul3A_418, %add3A_437 : i32
      %get3A_439 = arith.index_cast %add3A_438 : i32 to index
      %get3A_440 = memref.load %arg0[%get3A_439] : memref<30000xf32, #tpu.memory_space<smem>>
      %max3A_441 = vector.broadcast %get3A_420 : f32 to vector<8x128xf32>
      %max3A_442 = arith.maximumf %get3A_13, %max3A_441 : vector<8x128xf32>
      %max3A_443 = vector.broadcast %get3A_424 : f32 to vector<8x128xf32>
      %max3A_444 = arith.maximumf %get3A_28, %max3A_443 : vector<8x128xf32>
      %min3A_445 = vector.broadcast %get3A_428 : f32 to vector<8x128xf32>
      %min3A_446 = arith.minimumf %get3A_43, %min3A_445 : vector<8x128xf32>
      %min3A_447 = vector.broadcast %get3A_432 : f32 to vector<8x128xf32>
      %min3A_448 = arith.minimumf %get3A_58, %min3A_447 : vector<8x128xf32>
      %sub3A_449 = arith.subf %min3A_446, %max3A_442 : vector<8x128xf32>
      %max3A_450 = arith.constant 0.000000e+00 : f32
      %max3A_451 = vector.broadcast %max3A_450 : f32 to vector<8x128xf32>
      %max3A_452 = arith.maximumf %sub3A_449, %max3A_451 : vector<8x128xf32>
      %sub3A_453 = arith.subf %min3A_448, %max3A_444 : vector<8x128xf32>
      %max3A_454 = arith.constant 0.000000e+00 : f32
      %max3A_455 = vector.broadcast %max3A_454 : f32 to vector<8x128xf32>
      %max3A_456 = arith.maximumf %sub3A_453, %max3A_455 : vector<8x128xf32>
      %mul3A_457 = arith.mulf %max3A_452, %max3A_456 : vector<8x128xf32>
      %add3A_458 = vector.broadcast %get3A_436 : f32 to vector<8x128xf32>
      %add3A_459 = arith.addf %add3A_458, %mul3A_86 : vector<8x128xf32>
      %sub3A_460 = arith.subf %add3A_459, %mul3A_457 : vector<8x128xf32>
      %ge3A_461 = vector.broadcast %get3A_440 : f32 to vector<8x128xf32>
      %ge3A_462 = arith.cmpf oge, %ge3A_461, %get3A_73 : vector<8x128xf32>
      %jit3A_463 = arith.constant 1.000000e+00 : f32
      %jit3A_464 = arith.constant 0.000000e+00 : f32
      %broadcast_in_dim3A_465 = vector.broadcast %jit3A_463 : f32 to vector<8x128xf32>
      %broadcast_in_dim3A_466 = vector.broadcast %jit3A_464 : f32 to vector<8x128xf32>
      %select_n3A_467 = arith.select %ge3A_462, %broadcast_in_dim3A_465, %broadcast_in_dim3A_466 : vector<8x128xi1>, vector<8x128xf32>
      %mul3A_468 = arith.mulf %mul3A_457, %select_n3A_467 : vector<8x128xf32>
      %add3A_469 = arith.addf %scan3A_188, %select_n3A_467 : vector<8x128xf32>
      scf.yield %max3A_200, %max3A_250, %max3A_307, %max3A_361, %max3A_416, %add3A_248, %add3A_305, %add3A_359, %add3A_414, %add3A_469, %mul3A_247, %sub3A_243, %mul3A_304, %sub3A_294, %mul3A_358, %sub3A_351, %mul3A_413, %sub3A_405, %mul3A_468, %sub3A_460 : vector<8x128xf32>, vector<8x128xf32>, vector<8x128xf32>, vector<8x128xf32>, vector<8x128xf32>, vector<8x128xf32>, vector<8x128xf32>, vector<8x128xf32>, vector<8x128xf32>, vector<8x128xf32>, vector<8x128xf32>, vector<8x128xf32>, vector<8x128xf32>, vector<8x128xf32>, vector<8x128xf32>, vector<8x128xf32>, vector<8x128xf32>, vector<8x128xf32>, vector<8x128xf32>, vector<8x128xf32>
    }
    %scan3A_113 = arith.constant 1024 : i32
    %add3A_114 = arith.constant 2048 : i32
    %add3A_115 = vector.broadcast %add3A_114 : i32 to vector<8x128xi32>
    %add3A_116 = arith.addi %add3A_96, %add3A_115 : vector<8x128xi32>
    %scan3A_117 = arith.constant 2048 : i32
    %scan3A_118 = arith.constant 1024 : i32
    %scan3A_119 = arith.addi %scan3A_117, %scan3A_118 : i32
    %scan3A_120 = arith.constant 1 : i32
    %scan3A_121:20 = scf.for %scan3A_178 = %scan3A_117 to %scan3A_119 step %scan3A_120 iter_args(%scan3A_179 = %scan3A_112#0, %scan3A_180 = %scan3A_112#1, %scan3A_181 = %scan3A_112#2, %scan3A_182 = %scan3A_112#3, %scan3A_183 = %scan3A_112#4, %scan3A_184 = %scan3A_112#5, %scan3A_185 = %scan3A_112#6, %scan3A_186 = %scan3A_112#7, %scan3A_187 = %scan3A_112#8, %scan3A_188 = %scan3A_112#9, %scan3A_189 = %scan3A_112#10, %scan3A_190 = %scan3A_112#11, %scan3A_191 = %scan3A_112#12, %scan3A_192 = %scan3A_112#13, %scan3A_193 = %scan3A_112#14, %scan3A_194 = %scan3A_112#15, %scan3A_195 = %scan3A_112#16, %scan3A_196 = %scan3A_112#17, %scan3A_197 = %scan3A_112#18, %scan3A_198 = %scan3A_112#19) -> (vector<8x128xf32>, vector<8x128xf32>, vector<8x128xf32>, vector<8x128xf32>, vector<8x128xf32>, vector<8x128xf32>, vector<8x128xf32>, vector<8x128xf32>, vector<8x128xf32>, vector<8x128xf32>, vector<8x128xf32>, vector<8x128xf32>, vector<8x128xf32>, vector<8x128xf32>, vector<8x128xf32>, vector<8x128xf32>, vector<8x128xf32>, vector<8x128xf32>, vector<8x128xf32>, vector<8x128xf32>)  : i32 {
      %div3A_199 = arith.divf %scan3A_189, %scan3A_190 : vector<8x128xf32>
      %max3A_200 = arith.maximumf %scan3A_179, %div3A_199 : vector<8x128xf32>
      %mul3A_201 = arith.constant 6 : i32
      %mul3A_202 = arith.muli %scan3A_178, %mul3A_201 : i32
      %get3A_203 = arith.index_cast %mul3A_202 : i32 to index
      %get3A_204 = memref.load %arg0[%get3A_203] : memref<30000xf32, #tpu.memory_space<smem>>
      %add3A_205 = arith.constant 1 : i32
      %add3A_206 = arith.addi %mul3A_202, %add3A_205 : i32
      %get3A_207 = arith.index_cast %add3A_206 : i32 to index
      %get3A_208 = memref.load %arg0[%get3A_207] : memref<30000xf32, #tpu.memory_space<smem>>
      %add3A_209 = arith.constant 2 : i32
      %add3A_210 = arith.addi %mul3A_202, %add3A_209 : i32
      %get3A_211 = arith.index_cast %add3A_210 : i32 to index
      %get3A_212 = memref.load %arg0[%get3A_211] : memref<30000xf32, #tpu.memory_space<smem>>
      %add3A_213 = arith.constant 3 : i32
      %add3A_214 = arith.addi %mul3A_202, %add3A_213 : i32
      %get3A_215 = arith.index_cast %add3A_214 : i32 to index
      %get3A_216 = memref.load %arg0[%get3A_215] : memref<30000xf32, #tpu.memory_space<smem>>
      %add3A_217 = arith.constant 4 : i32
      %add3A_218 = arith.addi %mul3A_202, %add3A_217 : i32
      %get3A_219 = arith.index_cast %add3A_218 : i32 to index
      %get3A_220 = memref.load %arg0[%get3A_219] : memref<30000xf32, #tpu.memory_space<smem>>
      %add3A_221 = arith.constant 5 : i32
      %add3A_222 = arith.addi %mul3A_202, %add3A_221 : i32
      %get3A_223 = arith.index_cast %add3A_222 : i32 to index
      %get3A_224 = memref.load %arg0[%get3A_223] : memref<30000xf32, #tpu.memory_space<smem>>
      %max3A_225 = vector.broadcast %get3A_204 : f32 to vector<8x128xf32>
      %max3A_226 = arith.maximumf %get3A_1, %max3A_225 : vector<8x128xf32>
      %max3A_227 = vector.broadcast %get3A_208 : f32 to vector<8x128xf32>
      %max3A_228 = arith.maximumf %get3A_16, %max3A_227 : vector<8x128xf32>
      %min3A = vector.broadcast %get3A_212 : f32 to vector<8x128xf32>
      %min3A_229 = arith.minimumf %get3A_31, %min3A : vector<8x128xf32>
      %min3A_230 = vector.broadcast %get3A_216 : f32 to vector<8x128xf32>
      %min3A_231 = arith.minimumf %get3A_46, %min3A_230 : vector<8x128xf32>
      %sub3A_232 = arith.subf %min3A_229, %max3A_226 : vector<8x128xf32>
      %max3A_233 = arith.constant 0.000000e+00 : f32
      %max3A_234 = vector.broadcast %max3A_233 : f32 to vector<8x128xf32>
      %max3A_235 = arith.maximumf %sub3A_232, %max3A_234 : vector<8x128xf32>
      %sub3A_236 = arith.subf %min3A_231, %max3A_228 : vector<8x128xf32>
      %max3A_237 = arith.constant 0.000000e+00 : f32
      %max3A_238 = vector.broadcast %max3A_237 : f32 to vector<8x128xf32>
      %max3A_239 = arith.maximumf %sub3A_236, %max3A_238 : vector<8x128xf32>
      %mul3A_240 = arith.mulf %max3A_235, %max3A_239 : vector<8x128xf32>
      %add3A_241 = vector.broadcast %get3A_220 : f32 to vector<8x128xf32>
      %add3A_242 = arith.addf %add3A_241, %mul3A : vector<8x128xf32>
      %sub3A_243 = arith.subf %add3A_242, %mul3A_240 : vector<8x128xf32>
      %gt3A = vector.broadcast %get3A_224 : f32 to vector<8x128xf32>
      %gt3A_244 = arith.cmpf ogt, %gt3A, %get3A_61 : vector<8x128xf32>
      %jit3A = arith.constant 1.000000e+00 : f32
      %jit3A_245 = arith.constant 0.000000e+00 : f32
      %broadcast_in_dim3A = vector.broadcast %jit3A : f32 to vector<8x128xf32>
      %broadcast_in_dim3A_246 = vector.broadcast %jit3A_245 : f32 to vector<8x128xf32>
      %select_n3A = arith.select %gt3A_244, %broadcast_in_dim3A, %broadcast_in_dim3A_246 : vector<8x128xi1>, vector<8x128xf32>
      %mul3A_247 = arith.mulf %mul3A_240, %select_n3A : vector<8x128xf32>
      %add3A_248 = arith.addf %scan3A_184, %select_n3A : vector<8x128xf32>
      %div3A_249 = arith.divf %scan3A_191, %scan3A_192 : vector<8x128xf32>
      %max3A_250 = arith.maximumf %scan3A_180, %div3A_249 : vector<8x128xf32>
      %mul3A_251 = arith.constant 6 : i32
      %mul3A_252 = arith.muli %scan3A_178, %mul3A_251 : i32
      %get3A_253 = arith.index_cast %mul3A_252 : i32 to index
      %get3A_254 = memref.load %arg0[%get3A_253] : memref<30000xf32, #tpu.memory_space<smem>>
      %add3A_255 = arith.constant 1 : i32
      %add3A_256 = arith.addi %mul3A_252, %add3A_255 : i32
      %get3A_257 = arith.index_cast %add3A_256 : i32 to index
      %get3A_258 = memref.load %arg0[%get3A_257] : memref<30000xf32, #tpu.memory_space<smem>>
      %add3A_259 = arith.constant 2 : i32
      %add3A_260 = arith.addi %mul3A_252, %add3A_259 : i32
      %get3A_261 = arith.index_cast %add3A_260 : i32 to index
      %get3A_262 = memref.load %arg0[%get3A_261] : memref<30000xf32, #tpu.memory_space<smem>>
      %add3A_263 = arith.constant 3 : i32
      %add3A_264 = arith.addi %mul3A_252, %add3A_263 : i32
      %get3A_265 = arith.index_cast %add3A_264 : i32 to index
      %get3A_266 = memref.load %arg0[%get3A_265] : memref<30000xf32, #tpu.memory_space<smem>>
      %add3A_267 = arith.constant 4 : i32
      %add3A_268 = arith.addi %mul3A_252, %add3A_267 : i32
      %get3A_269 = arith.index_cast %add3A_268 : i32 to index
      %get3A_270 = memref.load %arg0[%get3A_269] : memref<30000xf32, #tpu.memory_space<smem>>
      %add3A_271 = arith.constant 5 : i32
      %add3A_272 = arith.addi %mul3A_252, %add3A_271 : i32
      %get3A_273 = arith.index_cast %add3A_272 : i32 to index
      %get3A_274 = memref.load %arg0[%get3A_273] : memref<30000xf32, #tpu.memory_space<smem>>
      %max3A_275 = vector.broadcast %get3A_254 : f32 to vector<8x128xf32>
      %max3A_276 = arith.maximumf %get3A_4, %max3A_275 : vector<8x128xf32>
      %max3A_277 = vector.broadcast %get3A_258 : f32 to vector<8x128xf32>
      %max3A_278 = arith.maximumf %get3A_19, %max3A_277 : vector<8x128xf32>
      %min3A_279 = vector.broadcast %get3A_262 : f32 to vector<8x128xf32>
      %min3A_280 = arith.minimumf %get3A_34, %min3A_279 : vector<8x128xf32>
      %min3A_281 = vector.broadcast %get3A_266 : f32 to vector<8x128xf32>
      %min3A_282 = arith.minimumf %get3A_49, %min3A_281 : vector<8x128xf32>
      %sub3A_283 = arith.subf %min3A_280, %max3A_276 : vector<8x128xf32>
      %max3A_284 = arith.constant 0.000000e+00 : f32
      %max3A_285 = vector.broadcast %max3A_284 : f32 to vector<8x128xf32>
      %max3A_286 = arith.maximumf %sub3A_283, %max3A_285 : vector<8x128xf32>
      %sub3A_287 = arith.subf %min3A_282, %max3A_278 : vector<8x128xf32>
      %max3A_288 = arith.constant 0.000000e+00 : f32
      %max3A_289 = vector.broadcast %max3A_288 : f32 to vector<8x128xf32>
      %max3A_290 = arith.maximumf %sub3A_287, %max3A_289 : vector<8x128xf32>
      %mul3A_291 = arith.mulf %max3A_286, %max3A_290 : vector<8x128xf32>
      %add3A_292 = vector.broadcast %get3A_270 : f32 to vector<8x128xf32>
      %add3A_293 = arith.addf %add3A_292, %mul3A_77 : vector<8x128xf32>
      %sub3A_294 = arith.subf %add3A_293, %mul3A_291 : vector<8x128xf32>
      %gt3A_295 = vector.broadcast %get3A_274 : f32 to vector<8x128xf32>
      %gt3A_296 = arith.cmpf ogt, %gt3A_295, %get3A_64 : vector<8x128xf32>
      %jit3A_297 = arith.constant 1.000000e+00 : f32
      %jit3A_298 = arith.constant 0.000000e+00 : f32
      %broadcast_in_dim3A_299 = vector.broadcast %jit3A_297 : f32 to vector<8x128xf32>
      %broadcast_in_dim3A_300 = vector.broadcast %jit3A_298 : f32 to vector<8x128xf32>
      %select_n3A_301 = arith.select %gt3A_296, %broadcast_in_dim3A_299, %broadcast_in_dim3A_300 : vector<8x128xi1>, vector<8x128xf32>
      %mul3A_302 = arith.mulf %mul3A_291, %select_n3A_301 : vector<8x128xf32>
      %add3A_303 = arith.addf %scan3A_185, %select_n3A_301 : vector<8x128xf32>
      %div3A_304 = arith.divf %scan3A_193, %scan3A_194 : vector<8x128xf32>
      %max3A_305 = arith.maximumf %scan3A_181, %div3A_304 : vector<8x128xf32>
      %mul3A_306 = arith.constant 6 : i32
      %mul3A_307 = arith.muli %scan3A_178, %mul3A_306 : i32
      %get3A_308 = arith.index_cast %mul3A_307 : i32 to index
      %get3A_309 = memref.load %arg0[%get3A_308] : memref<30000xf32, #tpu.memory_space<smem>>
      %add3A_310 = arith.constant 1 : i32
      %add3A_311 = arith.addi %mul3A_307, %add3A_310 : i32
      %get3A_312 = arith.index_cast %add3A_311 : i32 to index
      %get3A_313 = memref.load %arg0[%get3A_312] : memref<30000xf32, #tpu.memory_space<smem>>
      %add3A_314 = arith.constant 2 : i32
      %add3A_315 = arith.addi %mul3A_307, %add3A_314 : i32
      %get3A_316 = arith.index_cast %add3A_315 : i32 to index
      %get3A_317 = memref.load %arg0[%get3A_316] : memref<30000xf32, #tpu.memory_space<smem>>
      %add3A_318 = arith.constant 3 : i32
      %add3A_319 = arith.addi %mul3A_307, %add3A_318 : i32
      %get3A_320 = arith.index_cast %add3A_319 : i32 to index
      %get3A_321 = memref.load %arg0[%get3A_320] : memref<30000xf32, #tpu.memory_space<smem>>
      %add3A_322 = arith.constant 4 : i32
      %add3A_323 = arith.addi %mul3A_307, %add3A_322 : i32
      %get3A_324 = arith.index_cast %add3A_323 : i32 to index
      %get3A_325 = memref.load %arg0[%get3A_324] : memref<30000xf32, #tpu.memory_space<smem>>
      %add3A_326 = arith.constant 5 : i32
      %add3A_327 = arith.addi %mul3A_307, %add3A_326 : i32
      %get3A_328 = arith.index_cast %add3A_327 : i32 to index
      %get3A_329 = memref.load %arg0[%get3A_328] : memref<30000xf32, #tpu.memory_space<smem>>
      %max3A_330 = vector.broadcast %get3A_309 : f32 to vector<8x128xf32>
      %max3A_331 = arith.maximumf %get3A_7, %max3A_330 : vector<8x128xf32>
      %max3A_332 = vector.broadcast %get3A_313 : f32 to vector<8x128xf32>
      %max3A_333 = arith.maximumf %get3A_22, %max3A_332 : vector<8x128xf32>
      %min3A_334 = vector.broadcast %get3A_317 : f32 to vector<8x128xf32>
      %min3A_335 = arith.minimumf %get3A_37, %min3A_334 : vector<8x128xf32>
      %min3A_336 = vector.broadcast %get3A_321 : f32 to vector<8x128xf32>
      %min3A_337 = arith.minimumf %get3A_52, %min3A_336 : vector<8x128xf32>
      %sub3A_338 = arith.subf %min3A_335, %max3A_331 : vector<8x128xf32>
      %max3A_339 = arith.constant 0.000000e+00 : f32
      %max3A_340 = vector.broadcast %max3A_339 : f32 to vector<8x128xf32>
      %max3A_341 = arith.maximumf %sub3A_338, %max3A_340 : vector<8x128xf32>
      %sub3A_342 = arith.subf %min3A_337, %max3A_333 : vector<8x128xf32>
      %max3A_343 = arith.constant 0.000000e+00 : f32
      %max3A_344 = vector.broadcast %max3A_343 : f32 to vector<8x128xf32>
      %max3A_345 = arith.maximumf %sub3A_342, %max3A_344 : vector<8x128xf32>
      %mul3A_346 = arith.mulf %max3A_341, %max3A_345 : vector<8x128xf32>
      %add3A_347 = vector.broadcast %get3A_325 : f32 to vector<8x128xf32>
      %add3A_348 = arith.addf %add3A_347, %mul3A_80 : vector<8x128xf32>
      %sub3A_349 = arith.subf %add3A_348, %mul3A_346 : vector<8x128xf32>
      %gt3A_350 = vector.broadcast %get3A_329 : f32 to vector<8x128xf32>
      %gt3A_351 = arith.cmpf ogt, %gt3A_350, %get3A_67 : vector<8x128xf32>
      %eq3A = vector.broadcast %get3A_329 : f32 to vector<8x128xf32>
      %eq3A_352 = arith.cmpf oeq, %eq3A, %get3A_67 : vector<8x128xf32>
      %lt3A = vector.broadcast %scan3A_178 : i32 to vector<8x128xi32>
      %lt3A_353 = arith.cmpi slt, %lt3A, %add3A_116 : vector<8x128xi32>
      %and3A = arith.andi %eq3A_352, %lt3A_353 : vector<8x128xi1>
      %or3A = arith.ori %gt3A_351, %and3A : vector<8x128xi1>
      %jit3A_354 = arith.constant 1.000000e+00 : f32
      %jit3A_355 = arith.constant 0.000000e+00 : f32
      %broadcast_in_dim3A_356 = vector.broadcast %jit3A_354 : f32 to vector<8x128xf32>
      %broadcast_in_dim3A_357 = vector.broadcast %jit3A_355 : f32 to vector<8x128xf32>
      %select_n3A_358 = arith.select %or3A, %broadcast_in_dim3A_356, %broadcast_in_dim3A_357 : vector<8x128xi1>, vector<8x128xf32>
      %mul3A_359 = arith.mulf %mul3A_346, %select_n3A_358 : vector<8x128xf32>
      %add3A_360 = arith.addf %scan3A_186, %select_n3A_358 : vector<8x128xf32>
      %div3A_361 = arith.divf %scan3A_195, %scan3A_196 : vector<8x128xf32>
      %max3A_362 = arith.maximumf %scan3A_182, %div3A_361 : vector<8x128xf32>
      %mul3A_363 = arith.constant 6 : i32
      %mul3A_364 = arith.muli %scan3A_178, %mul3A_363 : i32
      %get3A_365 = arith.index_cast %mul3A_364 : i32 to index
      %get3A_366 = memref.load %arg0[%get3A_365] : memref<30000xf32, #tpu.memory_space<smem>>
      %add3A_367 = arith.constant 1 : i32
      %add3A_368 = arith.addi %mul3A_364, %add3A_367 : i32
      %get3A_369 = arith.index_cast %add3A_368 : i32 to index
      %get3A_370 = memref.load %arg0[%get3A_369] : memref<30000xf32, #tpu.memory_space<smem>>
      %add3A_371 = arith.constant 2 : i32
      %add3A_372 = arith.addi %mul3A_364, %add3A_371 : i32
      %get3A_373 = arith.index_cast %add3A_372 : i32 to index
      %get3A_374 = memref.load %arg0[%get3A_373] : memref<30000xf32, #tpu.memory_space<smem>>
      %add3A_375 = arith.constant 3 : i32
      %add3A_376 = arith.addi %mul3A_364, %add3A_375 : i32
      %get3A_377 = arith.index_cast %add3A_376 : i32 to index
      %get3A_378 = memref.load %arg0[%get3A_377] : memref<30000xf32, #tpu.memory_space<smem>>
      %add3A_379 = arith.constant 4 : i32
      %add3A_380 = arith.addi %mul3A_364, %add3A_379 : i32
      %get3A_381 = arith.index_cast %add3A_380 : i32 to index
      %get3A_382 = memref.load %arg0[%get3A_381] : memref<30000xf32, #tpu.memory_space<smem>>
      %add3A_383 = arith.constant 5 : i32
      %add3A_384 = arith.addi %mul3A_364, %add3A_383 : i32
      %get3A_385 = arith.index_cast %add3A_384 : i32 to index
      %get3A_386 = memref.load %arg0[%get3A_385] : memref<30000xf32, #tpu.memory_space<smem>>
      %max3A_387 = vector.broadcast %get3A_366 : f32 to vector<8x128xf32>
      %max3A_388 = arith.maximumf %get3A_10, %max3A_387 : vector<8x128xf32>
      %max3A_389 = vector.broadcast %get3A_370 : f32 to vector<8x128xf32>
      %max3A_390 = arith.maximumf %get3A_25, %max3A_389 : vector<8x128xf32>
      %min3A_391 = vector.broadcast %get3A_374 : f32 to vector<8x128xf32>
      %min3A_392 = arith.minimumf %get3A_40, %min3A_391 : vector<8x128xf32>
      %min3A_393 = vector.broadcast %get3A_378 : f32 to vector<8x128xf32>
      %min3A_394 = arith.minimumf %get3A_55, %min3A_393 : vector<8x128xf32>
      %sub3A_395 = arith.subf %min3A_392, %max3A_388 : vector<8x128xf32>
      %max3A_396 = arith.constant 0.000000e+00 : f32
      %max3A_397 = vector.broadcast %max3A_396 : f32 to vector<8x128xf32>
      %max3A_398 = arith.maximumf %sub3A_395, %max3A_397 : vector<8x128xf32>
      %sub3A_399 = arith.subf %min3A_394, %max3A_390 : vector<8x128xf32>
      %max3A_400 = arith.constant 0.000000e+00 : f32
      %max3A_401 = vector.broadcast %max3A_400 : f32 to vector<8x128xf32>
      %max3A_402 = arith.maximumf %sub3A_399, %max3A_401 : vector<8x128xf32>
      %mul3A_403 = arith.mulf %max3A_398, %max3A_402 : vector<8x128xf32>
      %add3A_404 = vector.broadcast %get3A_382 : f32 to vector<8x128xf32>
      %add3A_405 = arith.addf %add3A_404, %mul3A_83 : vector<8x128xf32>
      %sub3A_406 = arith.subf %add3A_405, %mul3A_403 : vector<8x128xf32>
      %ge3A = vector.broadcast %get3A_386 : f32 to vector<8x128xf32>
      %ge3A_407 = arith.cmpf oge, %ge3A, %get3A_70 : vector<8x128xf32>
      %jit3A_408 = arith.constant 1.000000e+00 : f32
      %jit3A_409 = arith.constant 0.000000e+00 : f32
      %broadcast_in_dim3A_410 = vector.broadcast %jit3A_408 : f32 to vector<8x128xf32>
      %broadcast_in_dim3A_411 = vector.broadcast %jit3A_409 : f32 to vector<8x128xf32>
      %select_n3A_412 = arith.select %ge3A_407, %broadcast_in_dim3A_410, %broadcast_in_dim3A_411 : vector<8x128xi1>, vector<8x128xf32>
      %mul3A_413 = arith.mulf %mul3A_403, %select_n3A_412 : vector<8x128xf32>
      %add3A_414 = arith.addf %scan3A_187, %select_n3A_412 : vector<8x128xf32>
      %div3A_415 = arith.divf %scan3A_197, %scan3A_198 : vector<8x128xf32>
      %max3A_416 = arith.maximumf %scan3A_183, %div3A_415 : vector<8x128xf32>
      %mul3A_417 = arith.constant 6 : i32
      %mul3A_418 = arith.muli %scan3A_178, %mul3A_417 : i32
      %get3A_419 = arith.index_cast %mul3A_418 : i32 to index
      %get3A_420 = memref.load %arg0[%get3A_419] : memref<30000xf32, #tpu.memory_space<smem>>
      %add3A_421 = arith.constant 1 : i32
      %add3A_422 = arith.addi %mul3A_418, %add3A_421 : i32
      %get3A_423 = arith.index_cast %add3A_422 : i32 to index
      %get3A_424 = memref.load %arg0[%get3A_423] : memref<30000xf32, #tpu.memory_space<smem>>
      %add3A_425 = arith.constant 2 : i32
      %add3A_426 = arith.addi %mul3A_418, %add3A_425 : i32
      %get3A_427 = arith.index_cast %add3A_426 : i32 to index
      %get3A_428 = memref.load %arg0[%get3A_427] : memref<30000xf32, #tpu.memory_space<smem>>
      %add3A_429 = arith.constant 3 : i32
      %add3A_430 = arith.addi %mul3A_418, %add3A_429 : i32
      %get3A_431 = arith.index_cast %add3A_430 : i32 to index
      %get3A_432 = memref.load %arg0[%get3A_431] : memref<30000xf32, #tpu.memory_space<smem>>
      %add3A_433 = arith.constant 4 : i32
      %add3A_434 = arith.addi %mul3A_418, %add3A_433 : i32
      %get3A_435 = arith.index_cast %add3A_434 : i32 to index
      %get3A_436 = memref.load %arg0[%get3A_435] : memref<30000xf32, #tpu.memory_space<smem>>
      %add3A_437 = arith.constant 5 : i32
      %add3A_438 = arith.addi %mul3A_418, %add3A_437 : i32
      %get3A_439 = arith.index_cast %add3A_438 : i32 to index
      %get3A_440 = memref.load %arg0[%get3A_439] : memref<30000xf32, #tpu.memory_space<smem>>
      %max3A_441 = vector.broadcast %get3A_420 : f32 to vector<8x128xf32>
      %max3A_442 = arith.maximumf %get3A_13, %max3A_441 : vector<8x128xf32>
      %max3A_443 = vector.broadcast %get3A_424 : f32 to vector<8x128xf32>
      %max3A_444 = arith.maximumf %get3A_28, %max3A_443 : vector<8x128xf32>
      %min3A_445 = vector.broadcast %get3A_428 : f32 to vector<8x128xf32>
      %min3A_446 = arith.minimumf %get3A_43, %min3A_445 : vector<8x128xf32>
      %min3A_447 = vector.broadcast %get3A_432 : f32 to vector<8x128xf32>
      %min3A_448 = arith.minimumf %get3A_58, %min3A_447 : vector<8x128xf32>
      %sub3A_449 = arith.subf %min3A_446, %max3A_442 : vector<8x128xf32>
      %max3A_450 = arith.constant 0.000000e+00 : f32
      %max3A_451 = vector.broadcast %max3A_450 : f32 to vector<8x128xf32>
      %max3A_452 = arith.maximumf %sub3A_449, %max3A_451 : vector<8x128xf32>
      %sub3A_453 = arith.subf %min3A_448, %max3A_444 : vector<8x128xf32>
      %max3A_454 = arith.constant 0.000000e+00 : f32
      %max3A_455 = vector.broadcast %max3A_454 : f32 to vector<8x128xf32>
      %max3A_456 = arith.maximumf %sub3A_453, %max3A_455 : vector<8x128xf32>
      %mul3A_457 = arith.mulf %max3A_452, %max3A_456 : vector<8x128xf32>
      %add3A_458 = vector.broadcast %get3A_436 : f32 to vector<8x128xf32>
      %add3A_459 = arith.addf %add3A_458, %mul3A_86 : vector<8x128xf32>
      %sub3A_460 = arith.subf %add3A_459, %mul3A_457 : vector<8x128xf32>
      %ge3A_461 = vector.broadcast %get3A_440 : f32 to vector<8x128xf32>
      %ge3A_462 = arith.cmpf oge, %ge3A_461, %get3A_73 : vector<8x128xf32>
      %jit3A_463 = arith.constant 1.000000e+00 : f32
      %jit3A_464 = arith.constant 0.000000e+00 : f32
      %broadcast_in_dim3A_465 = vector.broadcast %jit3A_463 : f32 to vector<8x128xf32>
      %broadcast_in_dim3A_466 = vector.broadcast %jit3A_464 : f32 to vector<8x128xf32>
      %select_n3A_467 = arith.select %ge3A_462, %broadcast_in_dim3A_465, %broadcast_in_dim3A_466 : vector<8x128xi1>, vector<8x128xf32>
      %mul3A_468 = arith.mulf %mul3A_457, %select_n3A_467 : vector<8x128xf32>
      %add3A_469 = arith.addf %scan3A_188, %select_n3A_467 : vector<8x128xf32>
      scf.yield %max3A_200, %max3A_250, %max3A_305, %max3A_362, %max3A_416, %add3A_248, %add3A_303, %add3A_360, %add3A_414, %add3A_469, %mul3A_247, %sub3A_243, %mul3A_302, %sub3A_294, %mul3A_359, %sub3A_349, %mul3A_413, %sub3A_406, %mul3A_468, %sub3A_460 : vector<8x128xf32>, vector<8x128xf32>, vector<8x128xf32>, vector<8x128xf32>, vector<8x128xf32>, vector<8x128xf32>, vector<8x128xf32>, vector<8x128xf32>, vector<8x128xf32>, vector<8x128xf32>, vector<8x128xf32>, vector<8x128xf32>, vector<8x128xf32>, vector<8x128xf32>, vector<8x128xf32>, vector<8x128xf32>, vector<8x128xf32>, vector<8x128xf32>, vector<8x128xf32>, vector<8x128xf32>
    }
    %scan3A_122 = arith.constant 1024 : i32
    %add3A_123 = arith.constant 3072 : i32
    %add3A_124 = vector.broadcast %add3A_123 : i32 to vector<8x128xi32>
    %add3A_125 = arith.addi %add3A_96, %add3A_124 : vector<8x128xi32>
    %scan3A_126 = arith.constant 3072 : i32
    %scan3A_127 = arith.constant 1024 : i32
    %scan3A_128 = arith.addi %scan3A_126, %scan3A_127 : i32
    %scan3A_129 = arith.constant 1 : i32
    %scan3A_130:20 = scf.for %scan3A_178 = %scan3A_126 to %scan3A_128 step %scan3A_129 iter_args(%scan3A_179 = %scan3A_121#0, %scan3A_180 = %scan3A_121#1, %scan3A_181 = %scan3A_121#2, %scan3A_182 = %scan3A_121#3, %scan3A_183 = %scan3A_121#4, %scan3A_184 = %scan3A_121#5, %scan3A_185 = %scan3A_121#6, %scan3A_186 = %scan3A_121#7, %scan3A_187 = %scan3A_121#8, %scan3A_188 = %scan3A_121#9, %scan3A_189 = %scan3A_121#10, %scan3A_190 = %scan3A_121#11, %scan3A_191 = %scan3A_121#12, %scan3A_192 = %scan3A_121#13, %scan3A_193 = %scan3A_121#14, %scan3A_194 = %scan3A_121#15, %scan3A_195 = %scan3A_121#16, %scan3A_196 = %scan3A_121#17, %scan3A_197 = %scan3A_121#18, %scan3A_198 = %scan3A_121#19) -> (vector<8x128xf32>, vector<8x128xf32>, vector<8x128xf32>, vector<8x128xf32>, vector<8x128xf32>, vector<8x128xf32>, vector<8x128xf32>, vector<8x128xf32>, vector<8x128xf32>, vector<8x128xf32>, vector<8x128xf32>, vector<8x128xf32>, vector<8x128xf32>, vector<8x128xf32>, vector<8x128xf32>, vector<8x128xf32>, vector<8x128xf32>, vector<8x128xf32>, vector<8x128xf32>, vector<8x128xf32>)  : i32 {
      %div3A_199 = arith.divf %scan3A_189, %scan3A_190 : vector<8x128xf32>
      %max3A_200 = arith.maximumf %scan3A_179, %div3A_199 : vector<8x128xf32>
      %mul3A_201 = arith.constant 6 : i32
      %mul3A_202 = arith.muli %scan3A_178, %mul3A_201 : i32
      %get3A_203 = arith.index_cast %mul3A_202 : i32 to index
      %get3A_204 = memref.load %arg0[%get3A_203] : memref<30000xf32, #tpu.memory_space<smem>>
      %add3A_205 = arith.constant 1 : i32
      %add3A_206 = arith.addi %mul3A_202, %add3A_205 : i32
      %get3A_207 = arith.index_cast %add3A_206 : i32 to index
      %get3A_208 = memref.load %arg0[%get3A_207] : memref<30000xf32, #tpu.memory_space<smem>>
      %add3A_209 = arith.constant 2 : i32
      %add3A_210 = arith.addi %mul3A_202, %add3A_209 : i32
      %get3A_211 = arith.index_cast %add3A_210 : i32 to index
      %get3A_212 = memref.load %arg0[%get3A_211] : memref<30000xf32, #tpu.memory_space<smem>>
      %add3A_213 = arith.constant 3 : i32
      %add3A_214 = arith.addi %mul3A_202, %add3A_213 : i32
      %get3A_215 = arith.index_cast %add3A_214 : i32 to index
      %get3A_216 = memref.load %arg0[%get3A_215] : memref<30000xf32, #tpu.memory_space<smem>>
      %add3A_217 = arith.constant 4 : i32
      %add3A_218 = arith.addi %mul3A_202, %add3A_217 : i32
      %get3A_219 = arith.index_cast %add3A_218 : i32 to index
      %get3A_220 = memref.load %arg0[%get3A_219] : memref<30000xf32, #tpu.memory_space<smem>>
      %add3A_221 = arith.constant 5 : i32
      %add3A_222 = arith.addi %mul3A_202, %add3A_221 : i32
      %get3A_223 = arith.index_cast %add3A_222 : i32 to index
      %get3A_224 = memref.load %arg0[%get3A_223] : memref<30000xf32, #tpu.memory_space<smem>>
      %max3A_225 = vector.broadcast %get3A_204 : f32 to vector<8x128xf32>
      %max3A_226 = arith.maximumf %get3A_1, %max3A_225 : vector<8x128xf32>
      %max3A_227 = vector.broadcast %get3A_208 : f32 to vector<8x128xf32>
      %max3A_228 = arith.maximumf %get3A_16, %max3A_227 : vector<8x128xf32>
      %min3A = vector.broadcast %get3A_212 : f32 to vector<8x128xf32>
      %min3A_229 = arith.minimumf %get3A_31, %min3A : vector<8x128xf32>
      %min3A_230 = vector.broadcast %get3A_216 : f32 to vector<8x128xf32>
      %min3A_231 = arith.minimumf %get3A_46, %min3A_230 : vector<8x128xf32>
      %sub3A_232 = arith.subf %min3A_229, %max3A_226 : vector<8x128xf32>
      %max3A_233 = arith.constant 0.000000e+00 : f32
      %max3A_234 = vector.broadcast %max3A_233 : f32 to vector<8x128xf32>
      %max3A_235 = arith.maximumf %sub3A_232, %max3A_234 : vector<8x128xf32>
      %sub3A_236 = arith.subf %min3A_231, %max3A_228 : vector<8x128xf32>
      %max3A_237 = arith.constant 0.000000e+00 : f32
      %max3A_238 = vector.broadcast %max3A_237 : f32 to vector<8x128xf32>
      %max3A_239 = arith.maximumf %sub3A_236, %max3A_238 : vector<8x128xf32>
      %mul3A_240 = arith.mulf %max3A_235, %max3A_239 : vector<8x128xf32>
      %add3A_241 = vector.broadcast %get3A_220 : f32 to vector<8x128xf32>
      %add3A_242 = arith.addf %add3A_241, %mul3A : vector<8x128xf32>
      %sub3A_243 = arith.subf %add3A_242, %mul3A_240 : vector<8x128xf32>
      %gt3A = vector.broadcast %get3A_224 : f32 to vector<8x128xf32>
      %gt3A_244 = arith.cmpf ogt, %gt3A, %get3A_61 : vector<8x128xf32>
      %jit3A = arith.constant 1.000000e+00 : f32
      %jit3A_245 = arith.constant 0.000000e+00 : f32
      %broadcast_in_dim3A = vector.broadcast %jit3A : f32 to vector<8x128xf32>
      %broadcast_in_dim3A_246 = vector.broadcast %jit3A_245 : f32 to vector<8x128xf32>
      %select_n3A = arith.select %gt3A_244, %broadcast_in_dim3A, %broadcast_in_dim3A_246 : vector<8x128xi1>, vector<8x128xf32>
      %mul3A_247 = arith.mulf %mul3A_240, %select_n3A : vector<8x128xf32>
      %add3A_248 = arith.addf %scan3A_184, %select_n3A : vector<8x128xf32>
      %div3A_249 = arith.divf %scan3A_191, %scan3A_192 : vector<8x128xf32>
      %max3A_250 = arith.maximumf %scan3A_180, %div3A_249 : vector<8x128xf32>
      %mul3A_251 = arith.constant 6 : i32
      %mul3A_252 = arith.muli %scan3A_178, %mul3A_251 : i32
      %get3A_253 = arith.index_cast %mul3A_252 : i32 to index
      %get3A_254 = memref.load %arg0[%get3A_253] : memref<30000xf32, #tpu.memory_space<smem>>
      %add3A_255 = arith.constant 1 : i32
      %add3A_256 = arith.addi %mul3A_252, %add3A_255 : i32
      %get3A_257 = arith.index_cast %add3A_256 : i32 to index
      %get3A_258 = memref.load %arg0[%get3A_257] : memref<30000xf32, #tpu.memory_space<smem>>
      %add3A_259 = arith.constant 2 : i32
      %add3A_260 = arith.addi %mul3A_252, %add3A_259 : i32
      %get3A_261 = arith.index_cast %add3A_260 : i32 to index
      %get3A_262 = memref.load %arg0[%get3A_261] : memref<30000xf32, #tpu.memory_space<smem>>
      %add3A_263 = arith.constant 3 : i32
      %add3A_264 = arith.addi %mul3A_252, %add3A_263 : i32
      %get3A_265 = arith.index_cast %add3A_264 : i32 to index
      %get3A_266 = memref.load %arg0[%get3A_265] : memref<30000xf32, #tpu.memory_space<smem>>
      %add3A_267 = arith.constant 4 : i32
      %add3A_268 = arith.addi %mul3A_252, %add3A_267 : i32
      %get3A_269 = arith.index_cast %add3A_268 : i32 to index
      %get3A_270 = memref.load %arg0[%get3A_269] : memref<30000xf32, #tpu.memory_space<smem>>
      %add3A_271 = arith.constant 5 : i32
      %add3A_272 = arith.addi %mul3A_252, %add3A_271 : i32
      %get3A_273 = arith.index_cast %add3A_272 : i32 to index
      %get3A_274 = memref.load %arg0[%get3A_273] : memref<30000xf32, #tpu.memory_space<smem>>
      %max3A_275 = vector.broadcast %get3A_254 : f32 to vector<8x128xf32>
      %max3A_276 = arith.maximumf %get3A_4, %max3A_275 : vector<8x128xf32>
      %max3A_277 = vector.broadcast %get3A_258 : f32 to vector<8x128xf32>
      %max3A_278 = arith.maximumf %get3A_19, %max3A_277 : vector<8x128xf32>
      %min3A_279 = vector.broadcast %get3A_262 : f32 to vector<8x128xf32>
      %min3A_280 = arith.minimumf %get3A_34, %min3A_279 : vector<8x128xf32>
      %min3A_281 = vector.broadcast %get3A_266 : f32 to vector<8x128xf32>
      %min3A_282 = arith.minimumf %get3A_49, %min3A_281 : vector<8x128xf32>
      %sub3A_283 = arith.subf %min3A_280, %max3A_276 : vector<8x128xf32>
      %max3A_284 = arith.constant 0.000000e+00 : f32
      %max3A_285 = vector.broadcast %max3A_284 : f32 to vector<8x128xf32>
      %max3A_286 = arith.maximumf %sub3A_283, %max3A_285 : vector<8x128xf32>
      %sub3A_287 = arith.subf %min3A_282, %max3A_278 : vector<8x128xf32>
      %max3A_288 = arith.constant 0.000000e+00 : f32
      %max3A_289 = vector.broadcast %max3A_288 : f32 to vector<8x128xf32>
      %max3A_290 = arith.maximumf %sub3A_287, %max3A_289 : vector<8x128xf32>
      %mul3A_291 = arith.mulf %max3A_286, %max3A_290 : vector<8x128xf32>
      %add3A_292 = vector.broadcast %get3A_270 : f32 to vector<8x128xf32>
      %add3A_293 = arith.addf %add3A_292, %mul3A_77 : vector<8x128xf32>
      %sub3A_294 = arith.subf %add3A_293, %mul3A_291 : vector<8x128xf32>
      %gt3A_295 = vector.broadcast %get3A_274 : f32 to vector<8x128xf32>
      %gt3A_296 = arith.cmpf ogt, %gt3A_295, %get3A_64 : vector<8x128xf32>
      %jit3A_297 = arith.constant 1.000000e+00 : f32
      %jit3A_298 = arith.constant 0.000000e+00 : f32
      %broadcast_in_dim3A_299 = vector.broadcast %jit3A_297 : f32 to vector<8x128xf32>
      %broadcast_in_dim3A_300 = vector.broadcast %jit3A_298 : f32 to vector<8x128xf32>
      %select_n3A_301 = arith.select %gt3A_296, %broadcast_in_dim3A_299, %broadcast_in_dim3A_300 : vector<8x128xi1>, vector<8x128xf32>
      %mul3A_302 = arith.mulf %mul3A_291, %select_n3A_301 : vector<8x128xf32>
      %add3A_303 = arith.addf %scan3A_185, %select_n3A_301 : vector<8x128xf32>
      %div3A_304 = arith.divf %scan3A_193, %scan3A_194 : vector<8x128xf32>
      %max3A_305 = arith.maximumf %scan3A_181, %div3A_304 : vector<8x128xf32>
      %mul3A_306 = arith.constant 6 : i32
      %mul3A_307 = arith.muli %scan3A_178, %mul3A_306 : i32
      %get3A_308 = arith.index_cast %mul3A_307 : i32 to index
      %get3A_309 = memref.load %arg0[%get3A_308] : memref<30000xf32, #tpu.memory_space<smem>>
      %add3A_310 = arith.constant 1 : i32
      %add3A_311 = arith.addi %mul3A_307, %add3A_310 : i32
      %get3A_312 = arith.index_cast %add3A_311 : i32 to index
      %get3A_313 = memref.load %arg0[%get3A_312] : memref<30000xf32, #tpu.memory_space<smem>>
      %add3A_314 = arith.constant 2 : i32
      %add3A_315 = arith.addi %mul3A_307, %add3A_314 : i32
      %get3A_316 = arith.index_cast %add3A_315 : i32 to index
      %get3A_317 = memref.load %arg0[%get3A_316] : memref<30000xf32, #tpu.memory_space<smem>>
      %add3A_318 = arith.constant 3 : i32
      %add3A_319 = arith.addi %mul3A_307, %add3A_318 : i32
      %get3A_320 = arith.index_cast %add3A_319 : i32 to index
      %get3A_321 = memref.load %arg0[%get3A_320] : memref<30000xf32, #tpu.memory_space<smem>>
      %add3A_322 = arith.constant 4 : i32
      %add3A_323 = arith.addi %mul3A_307, %add3A_322 : i32
      %get3A_324 = arith.index_cast %add3A_323 : i32 to index
      %get3A_325 = memref.load %arg0[%get3A_324] : memref<30000xf32, #tpu.memory_space<smem>>
      %add3A_326 = arith.constant 5 : i32
      %add3A_327 = arith.addi %mul3A_307, %add3A_326 : i32
      %get3A_328 = arith.index_cast %add3A_327 : i32 to index
      %get3A_329 = memref.load %arg0[%get3A_328] : memref<30000xf32, #tpu.memory_space<smem>>
      %max3A_330 = vector.broadcast %get3A_309 : f32 to vector<8x128xf32>
      %max3A_331 = arith.maximumf %get3A_7, %max3A_330 : vector<8x128xf32>
      %max3A_332 = vector.broadcast %get3A_313 : f32 to vector<8x128xf32>
      %max3A_333 = arith.maximumf %get3A_22, %max3A_332 : vector<8x128xf32>
      %min3A_334 = vector.broadcast %get3A_317 : f32 to vector<8x128xf32>
      %min3A_335 = arith.minimumf %get3A_37, %min3A_334 : vector<8x128xf32>
      %min3A_336 = vector.broadcast %get3A_321 : f32 to vector<8x128xf32>
      %min3A_337 = arith.minimumf %get3A_52, %min3A_336 : vector<8x128xf32>
      %sub3A_338 = arith.subf %min3A_335, %max3A_331 : vector<8x128xf32>
      %max3A_339 = arith.constant 0.000000e+00 : f32
      %max3A_340 = vector.broadcast %max3A_339 : f32 to vector<8x128xf32>
      %max3A_341 = arith.maximumf %sub3A_338, %max3A_340 : vector<8x128xf32>
      %sub3A_342 = arith.subf %min3A_337, %max3A_333 : vector<8x128xf32>
      %max3A_343 = arith.constant 0.000000e+00 : f32
      %max3A_344 = vector.broadcast %max3A_343 : f32 to vector<8x128xf32>
      %max3A_345 = arith.maximumf %sub3A_342, %max3A_344 : vector<8x128xf32>
      %mul3A_346 = arith.mulf %max3A_341, %max3A_345 : vector<8x128xf32>
      %add3A_347 = vector.broadcast %get3A_325 : f32 to vector<8x128xf32>
      %add3A_348 = arith.addf %add3A_347, %mul3A_80 : vector<8x128xf32>
      %sub3A_349 = arith.subf %add3A_348, %mul3A_346 : vector<8x128xf32>
      %gt3A_350 = vector.broadcast %get3A_329 : f32 to vector<8x128xf32>
      %gt3A_351 = arith.cmpf ogt, %gt3A_350, %get3A_67 : vector<8x128xf32>
      %jit3A_352 = arith.constant 1.000000e+00 : f32
      %jit3A_353 = arith.constant 0.000000e+00 : f32
      %broadcast_in_dim3A_354 = vector.broadcast %jit3A_352 : f32 to vector<8x128xf32>
      %broadcast_in_dim3A_355 = vector.broadcast %jit3A_353 : f32 to vector<8x128xf32>
      %select_n3A_356 = arith.select %gt3A_351, %broadcast_in_dim3A_354, %broadcast_in_dim3A_355 : vector<8x128xi1>, vector<8x128xf32>
      %mul3A_357 = arith.mulf %mul3A_346, %select_n3A_356 : vector<8x128xf32>
      %add3A_358 = arith.addf %scan3A_186, %select_n3A_356 : vector<8x128xf32>
      %div3A_359 = arith.divf %scan3A_195, %scan3A_196 : vector<8x128xf32>
      %max3A_360 = arith.maximumf %scan3A_182, %div3A_359 : vector<8x128xf32>
      %mul3A_361 = arith.constant 6 : i32
      %mul3A_362 = arith.muli %scan3A_178, %mul3A_361 : i32
      %get3A_363 = arith.index_cast %mul3A_362 : i32 to index
      %get3A_364 = memref.load %arg0[%get3A_363] : memref<30000xf32, #tpu.memory_space<smem>>
      %add3A_365 = arith.constant 1 : i32
      %add3A_366 = arith.addi %mul3A_362, %add3A_365 : i32
      %get3A_367 = arith.index_cast %add3A_366 : i32 to index
      %get3A_368 = memref.load %arg0[%get3A_367] : memref<30000xf32, #tpu.memory_space<smem>>
      %add3A_369 = arith.constant 2 : i32
      %add3A_370 = arith.addi %mul3A_362, %add3A_369 : i32
      %get3A_371 = arith.index_cast %add3A_370 : i32 to index
      %get3A_372 = memref.load %arg0[%get3A_371] : memref<30000xf32, #tpu.memory_space<smem>>
      %add3A_373 = arith.constant 3 : i32
      %add3A_374 = arith.addi %mul3A_362, %add3A_373 : i32
      %get3A_375 = arith.index_cast %add3A_374 : i32 to index
      %get3A_376 = memref.load %arg0[%get3A_375] : memref<30000xf32, #tpu.memory_space<smem>>
      %add3A_377 = arith.constant 4 : i32
      %add3A_378 = arith.addi %mul3A_362, %add3A_377 : i32
      %get3A_379 = arith.index_cast %add3A_378 : i32 to index
      %get3A_380 = memref.load %arg0[%get3A_379] : memref<30000xf32, #tpu.memory_space<smem>>
      %add3A_381 = arith.constant 5 : i32
      %add3A_382 = arith.addi %mul3A_362, %add3A_381 : i32
      %get3A_383 = arith.index_cast %add3A_382 : i32 to index
      %get3A_384 = memref.load %arg0[%get3A_383] : memref<30000xf32, #tpu.memory_space<smem>>
      %max3A_385 = vector.broadcast %get3A_364 : f32 to vector<8x128xf32>
      %max3A_386 = arith.maximumf %get3A_10, %max3A_385 : vector<8x128xf32>
      %max3A_387 = vector.broadcast %get3A_368 : f32 to vector<8x128xf32>
      %max3A_388 = arith.maximumf %get3A_25, %max3A_387 : vector<8x128xf32>
      %min3A_389 = vector.broadcast %get3A_372 : f32 to vector<8x128xf32>
      %min3A_390 = arith.minimumf %get3A_40, %min3A_389 : vector<8x128xf32>
      %min3A_391 = vector.broadcast %get3A_376 : f32 to vector<8x128xf32>
      %min3A_392 = arith.minimumf %get3A_55, %min3A_391 : vector<8x128xf32>
      %sub3A_393 = arith.subf %min3A_390, %max3A_386 : vector<8x128xf32>
      %max3A_394 = arith.constant 0.000000e+00 : f32
      %max3A_395 = vector.broadcast %max3A_394 : f32 to vector<8x128xf32>
      %max3A_396 = arith.maximumf %sub3A_393, %max3A_395 : vector<8x128xf32>
      %sub3A_397 = arith.subf %min3A_392, %max3A_388 : vector<8x128xf32>
      %max3A_398 = arith.constant 0.000000e+00 : f32
      %max3A_399 = vector.broadcast %max3A_398 : f32 to vector<8x128xf32>
      %max3A_400 = arith.maximumf %sub3A_397, %max3A_399 : vector<8x128xf32>
      %mul3A_401 = arith.mulf %max3A_396, %max3A_400 : vector<8x128xf32>
      %add3A_402 = vector.broadcast %get3A_380 : f32 to vector<8x128xf32>
      %add3A_403 = arith.addf %add3A_402, %mul3A_83 : vector<8x128xf32>
      %sub3A_404 = arith.subf %add3A_403, %mul3A_401 : vector<8x128xf32>
      %gt3A_405 = vector.broadcast %get3A_384 : f32 to vector<8x128xf32>
      %gt3A_406 = arith.cmpf ogt, %gt3A_405, %get3A_70 : vector<8x128xf32>
      %eq3A = vector.broadcast %get3A_384 : f32 to vector<8x128xf32>
      %eq3A_407 = arith.cmpf oeq, %eq3A, %get3A_70 : vector<8x128xf32>
      %lt3A = vector.broadcast %scan3A_178 : i32 to vector<8x128xi32>
      %lt3A_408 = arith.cmpi slt, %lt3A, %add3A_125 : vector<8x128xi32>
      %and3A = arith.andi %eq3A_407, %lt3A_408 : vector<8x128xi1>
      %or3A = arith.ori %gt3A_406, %and3A : vector<8x128xi1>
      %jit3A_409 = arith.constant 1.000000e+00 : f32
      %jit3A_410 = arith.constant 0.000000e+00 : f32
      %broadcast_in_dim3A_411 = vector.broadcast %jit3A_409 : f32 to vector<8x128xf32>
      %broadcast_in_dim3A_412 = vector.broadcast %jit3A_410 : f32 to vector<8x128xf32>
      %select_n3A_413 = arith.select %or3A, %broadcast_in_dim3A_411, %broadcast_in_dim3A_412 : vector<8x128xi1>, vector<8x128xf32>
      %mul3A_414 = arith.mulf %mul3A_401, %select_n3A_413 : vector<8x128xf32>
      %add3A_415 = arith.addf %scan3A_187, %select_n3A_413 : vector<8x128xf32>
      %div3A_416 = arith.divf %scan3A_197, %scan3A_198 : vector<8x128xf32>
      %max3A_417 = arith.maximumf %scan3A_183, %div3A_416 : vector<8x128xf32>
      %mul3A_418 = arith.constant 6 : i32
      %mul3A_419 = arith.muli %scan3A_178, %mul3A_418 : i32
      %get3A_420 = arith.index_cast %mul3A_419 : i32 to index
      %get3A_421 = memref.load %arg0[%get3A_420] : memref<30000xf32, #tpu.memory_space<smem>>
      %add3A_422 = arith.constant 1 : i32
      %add3A_423 = arith.addi %mul3A_419, %add3A_422 : i32
      %get3A_424 = arith.index_cast %add3A_423 : i32 to index
      %get3A_425 = memref.load %arg0[%get3A_424] : memref<30000xf32, #tpu.memory_space<smem>>
      %add3A_426 = arith.constant 2 : i32
      %add3A_427 = arith.addi %mul3A_419, %add3A_426 : i32
      %get3A_428 = arith.index_cast %add3A_427 : i32 to index
      %get3A_429 = memref.load %arg0[%get3A_428] : memref<30000xf32, #tpu.memory_space<smem>>
      %add3A_430 = arith.constant 3 : i32
      %add3A_431 = arith.addi %mul3A_419, %add3A_430 : i32
      %get3A_432 = arith.index_cast %add3A_431 : i32 to index
      %get3A_433 = memref.load %arg0[%get3A_432] : memref<30000xf32, #tpu.memory_space<smem>>
      %add3A_434 = arith.constant 4 : i32
      %add3A_435 = arith.addi %mul3A_419, %add3A_434 : i32
      %get3A_436 = arith.index_cast %add3A_435 : i32 to index
      %get3A_437 = memref.load %arg0[%get3A_436] : memref<30000xf32, #tpu.memory_space<smem>>
      %add3A_438 = arith.constant 5 : i32
      %add3A_439 = arith.addi %mul3A_419, %add3A_438 : i32
      %get3A_440 = arith.index_cast %add3A_439 : i32 to index
      %get3A_441 = memref.load %arg0[%get3A_440] : memref<30000xf32, #tpu.memory_space<smem>>
      %max3A_442 = vector.broadcast %get3A_421 : f32 to vector<8x128xf32>
      %max3A_443 = arith.maximumf %get3A_13, %max3A_442 : vector<8x128xf32>
      %max3A_444 = vector.broadcast %get3A_425 : f32 to vector<8x128xf32>
      %max3A_445 = arith.maximumf %get3A_28, %max3A_444 : vector<8x128xf32>
      %min3A_446 = vector.broadcast %get3A_429 : f32 to vector<8x128xf32>
      %min3A_447 = arith.minimumf %get3A_43, %min3A_446 : vector<8x128xf32>
      %min3A_448 = vector.broadcast %get3A_433 : f32 to vector<8x128xf32>
      %min3A_449 = arith.minimumf %get3A_58, %min3A_448 : vector<8x128xf32>
      %sub3A_450 = arith.subf %min3A_447, %max3A_443 : vector<8x128xf32>
      %max3A_451 = arith.constant 0.000000e+00 : f32
      %max3A_452 = vector.broadcast %max3A_451 : f32 to vector<8x128xf32>
      %max3A_453 = arith.maximumf %sub3A_450, %max3A_452 : vector<8x128xf32>
      %sub3A_454 = arith.subf %min3A_449, %max3A_445 : vector<8x128xf32>
      %max3A_455 = arith.constant 0.000000e+00 : f32
      %max3A_456 = vector.broadcast %max3A_455 : f32 to vector<8x128xf32>
      %max3A_457 = arith.maximumf %sub3A_454, %max3A_456 : vector<8x128xf32>
      %mul3A_458 = arith.mulf %max3A_453, %max3A_457 : vector<8x128xf32>
      %add3A_459 = vector.broadcast %get3A_437 : f32 to vector<8x128xf32>
      %add3A_460 = arith.addf %add3A_459, %mul3A_86 : vector<8x128xf32>
      %sub3A_461 = arith.subf %add3A_460, %mul3A_458 : vector<8x128xf32>
      %ge3A = vector.broadcast %get3A_441 : f32 to vector<8x128xf32>
      %ge3A_462 = arith.cmpf oge, %ge3A, %get3A_73 : vector<8x128xf32>
      %jit3A_463 = arith.constant 1.000000e+00 : f32
      %jit3A_464 = arith.constant 0.000000e+00 : f32
      %broadcast_in_dim3A_465 = vector.broadcast %jit3A_463 : f32 to vector<8x128xf32>
      %broadcast_in_dim3A_466 = vector.broadcast %jit3A_464 : f32 to vector<8x128xf32>
      %select_n3A_467 = arith.select %ge3A_462, %broadcast_in_dim3A_465, %broadcast_in_dim3A_466 : vector<8x128xi1>, vector<8x128xf32>
      %mul3A_468 = arith.mulf %mul3A_458, %select_n3A_467 : vector<8x128xf32>
      %add3A_469 = arith.addf %scan3A_188, %select_n3A_467 : vector<8x128xf32>
      scf.yield %max3A_200, %max3A_250, %max3A_305, %max3A_360, %max3A_417, %add3A_248, %add3A_303, %add3A_358, %add3A_415, %add3A_469, %mul3A_247, %sub3A_243, %mul3A_302, %sub3A_294, %mul3A_357, %sub3A_349, %mul3A_414, %sub3A_404, %mul3A_468, %sub3A_461 : vector<8x128xf32>, vector<8x128xf32>, vector<8x128xf32>, vector<8x128xf32>, vector<8x128xf32>, vector<8x128xf32>, vector<8x128xf32>, vector<8x128xf32>, vector<8x128xf32>, vector<8x128xf32>, vector<8x128xf32>, vector<8x128xf32>, vector<8x128xf32>, vector<8x128xf32>, vector<8x128xf32>, vector<8x128xf32>, vector<8x128xf32>, vector<8x128xf32>, vector<8x128xf32>, vector<8x128xf32>
    }
    %scan3A_131 = arith.constant 1024 : i32
    %add3A_132 = arith.constant 4096 : i32
    %add3A_133 = vector.broadcast %add3A_132 : i32 to vector<8x128xi32>
    %add3A_134 = arith.addi %add3A_96, %add3A_133 : vector<8x128xi32>
    %scan3A_135 = arith.constant 4096 : i32
    %scan3A_136 = arith.constant 904 : i32
    %scan3A_137 = arith.addi %scan3A_135, %scan3A_136 : i32
    %scan3A_138 = arith.constant 1 : i32
    %scan3A_139:20 = scf.for %scan3A_178 = %scan3A_135 to %scan3A_137 step %scan3A_138 iter_args(%scan3A_179 = %scan3A_130#0, %scan3A_180 = %scan3A_130#1, %scan3A_181 = %scan3A_130#2, %scan3A_182 = %scan3A_130#3, %scan3A_183 = %scan3A_130#4, %scan3A_184 = %scan3A_130#5, %scan3A_185 = %scan3A_130#6, %scan3A_186 = %scan3A_130#7, %scan3A_187 = %scan3A_130#8, %scan3A_188 = %scan3A_130#9, %scan3A_189 = %scan3A_130#10, %scan3A_190 = %scan3A_130#11, %scan3A_191 = %scan3A_130#12, %scan3A_192 = %scan3A_130#13, %scan3A_193 = %scan3A_130#14, %scan3A_194 = %scan3A_130#15, %scan3A_195 = %scan3A_130#16, %scan3A_196 = %scan3A_130#17, %scan3A_197 = %scan3A_130#18, %scan3A_198 = %scan3A_130#19) -> (vector<8x128xf32>, vector<8x128xf32>, vector<8x128xf32>, vector<8x128xf32>, vector<8x128xf32>, vector<8x128xf32>, vector<8x128xf32>, vector<8x128xf32>, vector<8x128xf32>, vector<8x128xf32>, vector<8x128xf32>, vector<8x128xf32>, vector<8x128xf32>, vector<8x128xf32>, vector<8x128xf32>, vector<8x128xf32>, vector<8x128xf32>, vector<8x128xf32>, vector<8x128xf32>, vector<8x128xf32>)  : i32 {
      %div3A_199 = arith.divf %scan3A_189, %scan3A_190 : vector<8x128xf32>
      %max3A_200 = arith.maximumf %scan3A_179, %div3A_199 : vector<8x128xf32>
      %mul3A_201 = arith.constant 6 : i32
      %mul3A_202 = arith.muli %scan3A_178, %mul3A_201 : i32
      %get3A_203 = arith.index_cast %mul3A_202 : i32 to index
      %get3A_204 = memref.load %arg0[%get3A_203] : memref<30000xf32, #tpu.memory_space<smem>>
      %add3A_205 = arith.constant 1 : i32
      %add3A_206 = arith.addi %mul3A_202, %add3A_205 : i32
      %get3A_207 = arith.index_cast %add3A_206 : i32 to index
      %get3A_208 = memref.load %arg0[%get3A_207] : memref<30000xf32, #tpu.memory_space<smem>>
      %add3A_209 = arith.constant 2 : i32
      %add3A_210 = arith.addi %mul3A_202, %add3A_209 : i32
      %get3A_211 = arith.index_cast %add3A_210 : i32 to index
      %get3A_212 = memref.load %arg0[%get3A_211] : memref<30000xf32, #tpu.memory_space<smem>>
      %add3A_213 = arith.constant 3 : i32
      %add3A_214 = arith.addi %mul3A_202, %add3A_213 : i32
      %get3A_215 = arith.index_cast %add3A_214 : i32 to index
      %get3A_216 = memref.load %arg0[%get3A_215] : memref<30000xf32, #tpu.memory_space<smem>>
      %add3A_217 = arith.constant 4 : i32
      %add3A_218 = arith.addi %mul3A_202, %add3A_217 : i32
      %get3A_219 = arith.index_cast %add3A_218 : i32 to index
      %get3A_220 = memref.load %arg0[%get3A_219] : memref<30000xf32, #tpu.memory_space<smem>>
      %add3A_221 = arith.constant 5 : i32
      %add3A_222 = arith.addi %mul3A_202, %add3A_221 : i32
      %get3A_223 = arith.index_cast %add3A_222 : i32 to index
      %get3A_224 = memref.load %arg0[%get3A_223] : memref<30000xf32, #tpu.memory_space<smem>>
      %max3A_225 = vector.broadcast %get3A_204 : f32 to vector<8x128xf32>
      %max3A_226 = arith.maximumf %get3A_1, %max3A_225 : vector<8x128xf32>
      %max3A_227 = vector.broadcast %get3A_208 : f32 to vector<8x128xf32>
      %max3A_228 = arith.maximumf %get3A_16, %max3A_227 : vector<8x128xf32>
      %min3A = vector.broadcast %get3A_212 : f32 to vector<8x128xf32>
      %min3A_229 = arith.minimumf %get3A_31, %min3A : vector<8x128xf32>
      %min3A_230 = vector.broadcast %get3A_216 : f32 to vector<8x128xf32>
      %min3A_231 = arith.minimumf %get3A_46, %min3A_230 : vector<8x128xf32>
      %sub3A_232 = arith.subf %min3A_229, %max3A_226 : vector<8x128xf32>
      %max3A_233 = arith.constant 0.000000e+00 : f32
      %max3A_234 = vector.broadcast %max3A_233 : f32 to vector<8x128xf32>
      %max3A_235 = arith.maximumf %sub3A_232, %max3A_234 : vector<8x128xf32>
      %sub3A_236 = arith.subf %min3A_231, %max3A_228 : vector<8x128xf32>
      %max3A_237 = arith.constant 0.000000e+00 : f32
      %max3A_238 = vector.broadcast %max3A_237 : f32 to vector<8x128xf32>
      %max3A_239 = arith.maximumf %sub3A_236, %max3A_238 : vector<8x128xf32>
      %mul3A_240 = arith.mulf %max3A_235, %max3A_239 : vector<8x128xf32>
      %add3A_241 = vector.broadcast %get3A_220 : f32 to vector<8x128xf32>
      %add3A_242 = arith.addf %add3A_241, %mul3A : vector<8x128xf32>
      %sub3A_243 = arith.subf %add3A_242, %mul3A_240 : vector<8x128xf32>
      %gt3A = vector.broadcast %get3A_224 : f32 to vector<8x128xf32>
      %gt3A_244 = arith.cmpf ogt, %gt3A, %get3A_61 : vector<8x128xf32>
      %jit3A = arith.constant 1.000000e+00 : f32
      %jit3A_245 = arith.constant 0.000000e+00 : f32
      %broadcast_in_dim3A = vector.broadcast %jit3A : f32 to vector<8x128xf32>
      %broadcast_in_dim3A_246 = vector.broadcast %jit3A_245 : f32 to vector<8x128xf32>
      %select_n3A = arith.select %gt3A_244, %broadcast_in_dim3A, %broadcast_in_dim3A_246 : vector<8x128xi1>, vector<8x128xf32>
      %mul3A_247 = arith.mulf %mul3A_240, %select_n3A : vector<8x128xf32>
      %add3A_248 = arith.addf %scan3A_184, %select_n3A : vector<8x128xf32>
      %div3A_249 = arith.divf %scan3A_191, %scan3A_192 : vector<8x128xf32>
      %max3A_250 = arith.maximumf %scan3A_180, %div3A_249 : vector<8x128xf32>
      %mul3A_251 = arith.constant 6 : i32
      %mul3A_252 = arith.muli %scan3A_178, %mul3A_251 : i32
      %get3A_253 = arith.index_cast %mul3A_252 : i32 to index
      %get3A_254 = memref.load %arg0[%get3A_253] : memref<30000xf32, #tpu.memory_space<smem>>
      %add3A_255 = arith.constant 1 : i32
      %add3A_256 = arith.addi %mul3A_252, %add3A_255 : i32
      %get3A_257 = arith.index_cast %add3A_256 : i32 to index
      %get3A_258 = memref.load %arg0[%get3A_257] : memref<30000xf32, #tpu.memory_space<smem>>
      %add3A_259 = arith.constant 2 : i32
      %add3A_260 = arith.addi %mul3A_252, %add3A_259 : i32
      %get3A_261 = arith.index_cast %add3A_260 : i32 to index
      %get3A_262 = memref.load %arg0[%get3A_261] : memref<30000xf32, #tpu.memory_space<smem>>
      %add3A_263 = arith.constant 3 : i32
      %add3A_264 = arith.addi %mul3A_252, %add3A_263 : i32
      %get3A_265 = arith.index_cast %add3A_264 : i32 to index
      %get3A_266 = memref.load %arg0[%get3A_265] : memref<30000xf32, #tpu.memory_space<smem>>
      %add3A_267 = arith.constant 4 : i32
      %add3A_268 = arith.addi %mul3A_252, %add3A_267 : i32
      %get3A_269 = arith.index_cast %add3A_268 : i32 to index
      %get3A_270 = memref.load %arg0[%get3A_269] : memref<30000xf32, #tpu.memory_space<smem>>
      %add3A_271 = arith.constant 5 : i32
      %add3A_272 = arith.addi %mul3A_252, %add3A_271 : i32
      %get3A_273 = arith.index_cast %add3A_272 : i32 to index
      %get3A_274 = memref.load %arg0[%get3A_273] : memref<30000xf32, #tpu.memory_space<smem>>
      %max3A_275 = vector.broadcast %get3A_254 : f32 to vector<8x128xf32>
      %max3A_276 = arith.maximumf %get3A_4, %max3A_275 : vector<8x128xf32>
      %max3A_277 = vector.broadcast %get3A_258 : f32 to vector<8x128xf32>
      %max3A_278 = arith.maximumf %get3A_19, %max3A_277 : vector<8x128xf32>
      %min3A_279 = vector.broadcast %get3A_262 : f32 to vector<8x128xf32>
      %min3A_280 = arith.minimumf %get3A_34, %min3A_279 : vector<8x128xf32>
      %min3A_281 = vector.broadcast %get3A_266 : f32 to vector<8x128xf32>
      %min3A_282 = arith.minimumf %get3A_49, %min3A_281 : vector<8x128xf32>
      %sub3A_283 = arith.subf %min3A_280, %max3A_276 : vector<8x128xf32>
      %max3A_284 = arith.constant 0.000000e+00 : f32
      %max3A_285 = vector.broadcast %max3A_284 : f32 to vector<8x128xf32>
      %max3A_286 = arith.maximumf %sub3A_283, %max3A_285 : vector<8x128xf32>
      %sub3A_287 = arith.subf %min3A_282, %max3A_278 : vector<8x128xf32>
      %max3A_288 = arith.constant 0.000000e+00 : f32
      %max3A_289 = vector.broadcast %max3A_288 : f32 to vector<8x128xf32>
      %max3A_290 = arith.maximumf %sub3A_287, %max3A_289 : vector<8x128xf32>
      %mul3A_291 = arith.mulf %max3A_286, %max3A_290 : vector<8x128xf32>
      %add3A_292 = vector.broadcast %get3A_270 : f32 to vector<8x128xf32>
      %add3A_293 = arith.addf %add3A_292, %mul3A_77 : vector<8x128xf32>
      %sub3A_294 = arith.subf %add3A_293, %mul3A_291 : vector<8x128xf32>
      %gt3A_295 = vector.broadcast %get3A_274 : f32 to vector<8x128xf32>
      %gt3A_296 = arith.cmpf ogt, %gt3A_295, %get3A_64 : vector<8x128xf32>
      %jit3A_297 = arith.constant 1.000000e+00 : f32
      %jit3A_298 = arith.constant 0.000000e+00 : f32
      %broadcast_in_dim3A_299 = vector.broadcast %jit3A_297 : f32 to vector<8x128xf32>
      %broadcast_in_dim3A_300 = vector.broadcast %jit3A_298 : f32 to vector<8x128xf32>
      %select_n3A_301 = arith.select %gt3A_296, %broadcast_in_dim3A_299, %broadcast_in_dim3A_300 : vector<8x128xi1>, vector<8x128xf32>
      %mul3A_302 = arith.mulf %mul3A_291, %select_n3A_301 : vector<8x128xf32>
      %add3A_303 = arith.addf %scan3A_185, %select_n3A_301 : vector<8x128xf32>
      %div3A_304 = arith.divf %scan3A_193, %scan3A_194 : vector<8x128xf32>
      %max3A_305 = arith.maximumf %scan3A_181, %div3A_304 : vector<8x128xf32>
      %mul3A_306 = arith.constant 6 : i32
      %mul3A_307 = arith.muli %scan3A_178, %mul3A_306 : i32
      %get3A_308 = arith.index_cast %mul3A_307 : i32 to index
      %get3A_309 = memref.load %arg0[%get3A_308] : memref<30000xf32, #tpu.memory_space<smem>>
      %add3A_310 = arith.constant 1 : i32
      %add3A_311 = arith.addi %mul3A_307, %add3A_310 : i32
      %get3A_312 = arith.index_cast %add3A_311 : i32 to index
      %get3A_313 = memref.load %arg0[%get3A_312] : memref<30000xf32, #tpu.memory_space<smem>>
      %add3A_314 = arith.constant 2 : i32
      %add3A_315 = arith.addi %mul3A_307, %add3A_314 : i32
      %get3A_316 = arith.index_cast %add3A_315 : i32 to index
      %get3A_317 = memref.load %arg0[%get3A_316] : memref<30000xf32, #tpu.memory_space<smem>>
      %add3A_318 = arith.constant 3 : i32
      %add3A_319 = arith.addi %mul3A_307, %add3A_318 : i32
      %get3A_320 = arith.index_cast %add3A_319 : i32 to index
      %get3A_321 = memref.load %arg0[%get3A_320] : memref<30000xf32, #tpu.memory_space<smem>>
      %add3A_322 = arith.constant 4 : i32
      %add3A_323 = arith.addi %mul3A_307, %add3A_322 : i32
      %get3A_324 = arith.index_cast %add3A_323 : i32 to index
      %get3A_325 = memref.load %arg0[%get3A_324] : memref<30000xf32, #tpu.memory_space<smem>>
      %add3A_326 = arith.constant 5 : i32
      %add3A_327 = arith.addi %mul3A_307, %add3A_326 : i32
      %get3A_328 = arith.index_cast %add3A_327 : i32 to index
      %get3A_329 = memref.load %arg0[%get3A_328] : memref<30000xf32, #tpu.memory_space<smem>>
      %max3A_330 = vector.broadcast %get3A_309 : f32 to vector<8x128xf32>
      %max3A_331 = arith.maximumf %get3A_7, %max3A_330 : vector<8x128xf32>
      %max3A_332 = vector.broadcast %get3A_313 : f32 to vector<8x128xf32>
      %max3A_333 = arith.maximumf %get3A_22, %max3A_332 : vector<8x128xf32>
      %min3A_334 = vector.broadcast %get3A_317 : f32 to vector<8x128xf32>
      %min3A_335 = arith.minimumf %get3A_37, %min3A_334 : vector<8x128xf32>
      %min3A_336 = vector.broadcast %get3A_321 : f32 to vector<8x128xf32>
      %min3A_337 = arith.minimumf %get3A_52, %min3A_336 : vector<8x128xf32>
      %sub3A_338 = arith.subf %min3A_335, %max3A_331 : vector<8x128xf32>
      %max3A_339 = arith.constant 0.000000e+00 : f32
      %max3A_340 = vector.broadcast %max3A_339 : f32 to vector<8x128xf32>
      %max3A_341 = arith.maximumf %sub3A_338, %max3A_340 : vector<8x128xf32>
      %sub3A_342 = arith.subf %min3A_337, %max3A_333 : vector<8x128xf32>
      %max3A_343 = arith.constant 0.000000e+00 : f32
      %max3A_344 = vector.broadcast %max3A_343 : f32 to vector<8x128xf32>
      %max3A_345 = arith.maximumf %sub3A_342, %max3A_344 : vector<8x128xf32>
      %mul3A_346 = arith.mulf %max3A_341, %max3A_345 : vector<8x128xf32>
      %add3A_347 = vector.broadcast %get3A_325 : f32 to vector<8x128xf32>
      %add3A_348 = arith.addf %add3A_347, %mul3A_80 : vector<8x128xf32>
      %sub3A_349 = arith.subf %add3A_348, %mul3A_346 : vector<8x128xf32>
      %gt3A_350 = vector.broadcast %get3A_329 : f32 to vector<8x128xf32>
      %gt3A_351 = arith.cmpf ogt, %gt3A_350, %get3A_67 : vector<8x128xf32>
      %jit3A_352 = arith.constant 1.000000e+00 : f32
      %jit3A_353 = arith.constant 0.000000e+00 : f32
      %broadcast_in_dim3A_354 = vector.broadcast %jit3A_352 : f32 to vector<8x128xf32>
      %broadcast_in_dim3A_355 = vector.broadcast %jit3A_353 : f32 to vector<8x128xf32>
      %select_n3A_356 = arith.select %gt3A_351, %broadcast_in_dim3A_354, %broadcast_in_dim3A_355 : vector<8x128xi1>, vector<8x128xf32>
      %mul3A_357 = arith.mulf %mul3A_346, %select_n3A_356 : vector<8x128xf32>
      %add3A_358 = arith.addf %scan3A_186, %select_n3A_356 : vector<8x128xf32>
      %div3A_359 = arith.divf %scan3A_195, %scan3A_196 : vector<8x128xf32>
      %max3A_360 = arith.maximumf %scan3A_182, %div3A_359 : vector<8x128xf32>
      %mul3A_361 = arith.constant 6 : i32
      %mul3A_362 = arith.muli %scan3A_178, %mul3A_361 : i32
      %get3A_363 = arith.index_cast %mul3A_362 : i32 to index
      %get3A_364 = memref.load %arg0[%get3A_363] : memref<30000xf32, #tpu.memory_space<smem>>
      %add3A_365 = arith.constant 1 : i32
      %add3A_366 = arith.addi %mul3A_362, %add3A_365 : i32
      %get3A_367 = arith.index_cast %add3A_366 : i32 to index
      %get3A_368 = memref.load %arg0[%get3A_367] : memref<30000xf32, #tpu.memory_space<smem>>
      %add3A_369 = arith.constant 2 : i32
      %add3A_370 = arith.addi %mul3A_362, %add3A_369 : i32
      %get3A_371 = arith.index_cast %add3A_370 : i32 to index
      %get3A_372 = memref.load %arg0[%get3A_371] : memref<30000xf32, #tpu.memory_space<smem>>
      %add3A_373 = arith.constant 3 : i32
      %add3A_374 = arith.addi %mul3A_362, %add3A_373 : i32
      %get3A_375 = arith.index_cast %add3A_374 : i32 to index
      %get3A_376 = memref.load %arg0[%get3A_375] : memref<30000xf32, #tpu.memory_space<smem>>
      %add3A_377 = arith.constant 4 : i32
      %add3A_378 = arith.addi %mul3A_362, %add3A_377 : i32
      %get3A_379 = arith.index_cast %add3A_378 : i32 to index
      %get3A_380 = memref.load %arg0[%get3A_379] : memref<30000xf32, #tpu.memory_space<smem>>
      %add3A_381 = arith.constant 5 : i32
      %add3A_382 = arith.addi %mul3A_362, %add3A_381 : i32
      %get3A_383 = arith.index_cast %add3A_382 : i32 to index
      %get3A_384 = memref.load %arg0[%get3A_383] : memref<30000xf32, #tpu.memory_space<smem>>
      %max3A_385 = vector.broadcast %get3A_364 : f32 to vector<8x128xf32>
      %max3A_386 = arith.maximumf %get3A_10, %max3A_385 : vector<8x128xf32>
      %max3A_387 = vector.broadcast %get3A_368 : f32 to vector<8x128xf32>
      %max3A_388 = arith.maximumf %get3A_25, %max3A_387 : vector<8x128xf32>
      %min3A_389 = vector.broadcast %get3A_372 : f32 to vector<8x128xf32>
      %min3A_390 = arith.minimumf %get3A_40, %min3A_389 : vector<8x128xf32>
      %min3A_391 = vector.broadcast %get3A_376 : f32 to vector<8x128xf32>
      %min3A_392 = arith.minimumf %get3A_55, %min3A_391 : vector<8x128xf32>
      %sub3A_393 = arith.subf %min3A_390, %max3A_386 : vector<8x128xf32>
      %max3A_394 = arith.constant 0.000000e+00 : f32
      %max3A_395 = vector.broadcast %max3A_394 : f32 to vector<8x128xf32>
      %max3A_396 = arith.maximumf %sub3A_393, %max3A_395 : vector<8x128xf32>
      %sub3A_397 = arith.subf %min3A_392, %max3A_388 : vector<8x128xf32>
      %max3A_398 = arith.constant 0.000000e+00 : f32
      %max3A_399 = vector.broadcast %max3A_398 : f32 to vector<8x128xf32>
      %max3A_400 = arith.maximumf %sub3A_397, %max3A_399 : vector<8x128xf32>
      %mul3A_401 = arith.mulf %max3A_396, %max3A_400 : vector<8x128xf32>
      %add3A_402 = vector.broadcast %get3A_380 : f32 to vector<8x128xf32>
      %add3A_403 = arith.addf %add3A_402, %mul3A_83 : vector<8x128xf32>
      %sub3A_404 = arith.subf %add3A_403, %mul3A_401 : vector<8x128xf32>
      %gt3A_405 = vector.broadcast %get3A_384 : f32 to vector<8x128xf32>
      %gt3A_406 = arith.cmpf ogt, %gt3A_405, %get3A_70 : vector<8x128xf32>
      %jit3A_407 = arith.constant 1.000000e+00 : f32
      %jit3A_408 = arith.constant 0.000000e+00 : f32
      %broadcast_in_dim3A_409 = vector.broadcast %jit3A_407 : f32 to vector<8x128xf32>
      %broadcast_in_dim3A_410 = vector.broadcast %jit3A_408 : f32 to vector<8x128xf32>
      %select_n3A_411 = arith.select %gt3A_406, %broadcast_in_dim3A_409, %broadcast_in_dim3A_410 : vector<8x128xi1>, vector<8x128xf32>
      %mul3A_412 = arith.mulf %mul3A_401, %select_n3A_411 : vector<8x128xf32>
      %add3A_413 = arith.addf %scan3A_187, %select_n3A_411 : vector<8x128xf32>
      %div3A_414 = arith.divf %scan3A_197, %scan3A_198 : vector<8x128xf32>
      %max3A_415 = arith.maximumf %scan3A_183, %div3A_414 : vector<8x128xf32>
      %mul3A_416 = arith.constant 6 : i32
      %mul3A_417 = arith.muli %scan3A_178, %mul3A_416 : i32
      %get3A_418 = arith.index_cast %mul3A_417 : i32 to index
      %get3A_419 = memref.load %arg0[%get3A_418] : memref<30000xf32, #tpu.memory_space<smem>>
      %add3A_420 = arith.constant 1 : i32
      %add3A_421 = arith.addi %mul3A_417, %add3A_420 : i32
      %get3A_422 = arith.index_cast %add3A_421 : i32 to index
      %get3A_423 = memref.load %arg0[%get3A_422] : memref<30000xf32, #tpu.memory_space<smem>>
      %add3A_424 = arith.constant 2 : i32
      %add3A_425 = arith.addi %mul3A_417, %add3A_424 : i32
      %get3A_426 = arith.index_cast %add3A_425 : i32 to index
      %get3A_427 = memref.load %arg0[%get3A_426] : memref<30000xf32, #tpu.memory_space<smem>>
      %add3A_428 = arith.constant 3 : i32
      %add3A_429 = arith.addi %mul3A_417, %add3A_428 : i32
      %get3A_430 = arith.index_cast %add3A_429 : i32 to index
      %get3A_431 = memref.load %arg0[%get3A_430] : memref<30000xf32, #tpu.memory_space<smem>>
      %add3A_432 = arith.constant 4 : i32
      %add3A_433 = arith.addi %mul3A_417, %add3A_432 : i32
      %get3A_434 = arith.index_cast %add3A_433 : i32 to index
      %get3A_435 = memref.load %arg0[%get3A_434] : memref<30000xf32, #tpu.memory_space<smem>>
      %add3A_436 = arith.constant 5 : i32
      %add3A_437 = arith.addi %mul3A_417, %add3A_436 : i32
      %get3A_438 = arith.index_cast %add3A_437 : i32 to index
      %get3A_439 = memref.load %arg0[%get3A_438] : memref<30000xf32, #tpu.memory_space<smem>>
      %max3A_440 = vector.broadcast %get3A_419 : f32 to vector<8x128xf32>
      %max3A_441 = arith.maximumf %get3A_13, %max3A_440 : vector<8x128xf32>
      %max3A_442 = vector.broadcast %get3A_423 : f32 to vector<8x128xf32>
      %max3A_443 = arith.maximumf %get3A_28, %max3A_442 : vector<8x128xf32>
      %min3A_444 = vector.broadcast %get3A_427 : f32 to vector<8x128xf32>
      %min3A_445 = arith.minimumf %get3A_43, %min3A_444 : vector<8x128xf32>
      %min3A_446 = vector.broadcast %get3A_431 : f32 to vector<8x128xf32>
      %min3A_447 = arith.minimumf %get3A_58, %min3A_446 : vector<8x128xf32>
      %sub3A_448 = arith.subf %min3A_445, %max3A_441 : vector<8x128xf32>
      %max3A_449 = arith.constant 0.000000e+00 : f32
      %max3A_450 = vector.broadcast %max3A_449 : f32 to vector<8x128xf32>
      %max3A_451 = arith.maximumf %sub3A_448, %max3A_450 : vector<8x128xf32>
      %sub3A_452 = arith.subf %min3A_447, %max3A_443 : vector<8x128xf32>
      %max3A_453 = arith.constant 0.000000e+00 : f32
      %max3A_454 = vector.broadcast %max3A_453 : f32 to vector<8x128xf32>
      %max3A_455 = arith.maximumf %sub3A_452, %max3A_454 : vector<8x128xf32>
      %mul3A_456 = arith.mulf %max3A_451, %max3A_455 : vector<8x128xf32>
      %add3A_457 = vector.broadcast %get3A_435 : f32 to vector<8x128xf32>
      %add3A_458 = arith.addf %add3A_457, %mul3A_86 : vector<8x128xf32>
      %sub3A_459 = arith.subf %add3A_458, %mul3A_456 : vector<8x128xf32>
      %gt3A_460 = vector.broadcast %get3A_439 : f32 to vector<8x128xf32>
      %gt3A_461 = arith.cmpf ogt, %gt3A_460, %get3A_73 : vector<8x128xf32>
      %eq3A = vector.broadcast %get3A_439 : f32 to vector<8x128xf32>
      %eq3A_462 = arith.cmpf oeq, %eq3A, %get3A_73 : vector<8x128xf32>
      %lt3A = vector.broadcast %scan3A_178 : i32 to vector<8x128xi32>
      %lt3A_463 = arith.cmpi slt, %lt3A, %add3A_134 : vector<8x128xi32>
      %and3A = arith.andi %eq3A_462, %lt3A_463 : vector<8x128xi1>
      %or3A = arith.ori %gt3A_461, %and3A : vector<8x128xi1>
      %jit3A_464 = arith.constant 1.000000e+00 : f32
      %jit3A_465 = arith.constant 0.000000e+00 : f32
      %broadcast_in_dim3A_466 = vector.broadcast %jit3A_464 : f32 to vector<8x128xf32>
      %broadcast_in_dim3A_467 = vector.broadcast %jit3A_465 : f32 to vector<8x128xf32>
      %select_n3A_468 = arith.select %or3A, %broadcast_in_dim3A_466, %broadcast_in_dim3A_467 : vector<8x128xi1>, vector<8x128xf32>
      %mul3A_469 = arith.mulf %mul3A_456, %select_n3A_468 : vector<8x128xf32>
      %add3A_470 = arith.addf %scan3A_188, %select_n3A_468 : vector<8x128xf32>
      scf.yield %max3A_200, %max3A_250, %max3A_305, %max3A_360, %max3A_415, %add3A_248, %add3A_303, %add3A_358, %add3A_413, %add3A_470, %mul3A_247, %sub3A_243, %mul3A_302, %sub3A_294, %mul3A_357, %sub3A_349, %mul3A_412, %sub3A_404, %mul3A_469, %sub3A_459 : vector<8x128xf32>, vector<8x128xf32>, vector<8x128xf32>, vector<8x128xf32>, vector<8x128xf32>, vector<8x128xf32>, vector<8x128xf32>, vector<8x128xf32>, vector<8x128xf32>, vector<8x128xf32>, vector<8x128xf32>, vector<8x128xf32>, vector<8x128xf32>, vector<8x128xf32>, vector<8x128xf32>, vector<8x128xf32>, vector<8x128xf32>, vector<8x128xf32>, vector<8x128xf32>, vector<8x128xf32>
    }
    %scan3A_140 = arith.constant 904 : i32
    %div3A = arith.divf %scan3A_139#10, %scan3A_139#11 : vector<8x128xf32>
    %max3A = arith.maximumf %scan3A_139#0, %div3A : vector<8x128xf32>
    %swap3A = arith.constant 0 : index
    %swap3A_141 = arith.constant 0 : index
    %swap3A_142 = vector.load %arg6[%swap3A, %swap3A_141] : memref<40x128xf32, #tpu.memory_space<vmem>>, vector<8x128xf32>
    tpu.vector_store %arg6[%swap3A, %swap3A_141], %max3A {strides = array<i32>} : memref<40x128xf32, #tpu.memory_space<vmem>>, vector<8x128xf32>,
    %swap3A_143 = arith.constant 0 : index
    %swap3A_144 = arith.constant 0 : index
    %swap3A_145 = vector.load %arg7[%swap3A_143, %swap3A_144] : memref<40x128xf32, #tpu.memory_space<vmem>>, vector<8x128xf32>
    tpu.vector_store %arg7[%swap3A_143, %swap3A_144], %scan3A_139#5 {strides = array<i32>} : memref<40x128xf32, #tpu.memory_space<vmem>>, vector<8x128xf32>,
    %div3A_146 = arith.divf %scan3A_139#12, %scan3A_139#13 : vector<8x128xf32>
    %max3A_147 = arith.maximumf %scan3A_139#1, %div3A_146 : vector<8x128xf32>
    %swap3A_148 = arith.constant 8 : index
    %swap3A_149 = arith.constant 0 : index
    %swap3A_150 = vector.load %arg6[%swap3A_148, %swap3A_149] : memref<40x128xf32, #tpu.memory_space<vmem>>, vector<8x128xf32>
    tpu.vector_store %arg6[%swap3A_148, %swap3A_149], %max3A_147 {strides = array<i32>} : memref<40x128xf32, #tpu.memory_space<vmem>>, vector<8x128xf32>,
    %swap3A_151 = arith.constant 8 : index
    %swap3A_152 = arith.constant 0 : index
    %swap3A_153 = vector.load %arg7[%swap3A_151, %swap3A_152] : memref<40x128xf32, #tpu.memory_space<vmem>>, vector<8x128xf32>
    tpu.vector_store %arg7[%swap3A_151, %swap3A_152], %scan3A_139#6 {strides = array<i32>} : memref<40x128xf32, #tpu.memory_space<vmem>>, vector<8x128xf32>,
    %div3A_154 = arith.divf %scan3A_139#14, %scan3A_139#15 : vector<8x128xf32>
    %max3A_155 = arith.maximumf %scan3A_139#2, %div3A_154 : vector<8x128xf32>
    %swap3A_156 = arith.constant 16 : index
    %swap3A_157 = arith.constant 0 : index
    %swap3A_158 = vector.load %arg6[%swap3A_156, %swap3A_157] : memref<40x128xf32, #tpu.memory_space<vmem>>, vector<8x128xf32>
    tpu.vector_store %arg6[%swap3A_156, %swap3A_157], %max3A_155 {strides = array<i32>} : memref<40x128xf32, #tpu.memory_space<vmem>>, vector<8x128xf32>,
    %swap3A_159 = arith.constant 16 : index
    %swap3A_160 = arith.constant 0 : index
    %swap3A_161 = vector.load %arg7[%swap3A_159, %swap3A_160] : memref<40x128xf32, #tpu.memory_space<vmem>>, vector<8x128xf32>
    tpu.vector_store %arg7[%swap3A_159, %swap3A_160], %scan3A_139#7 {strides = array<i32>} : memref<40x128xf32, #tpu.memory_space<vmem>>, vector<8x128xf32>,
    %div3A_162 = arith.divf %scan3A_139#16, %scan3A_139#17 : vector<8x128xf32>
    %max3A_163 = arith.maximumf %scan3A_139#3, %div3A_162 : vector<8x128xf32>
    %swap3A_164 = arith.constant 24 : index
    %swap3A_165 = arith.constant 0 : index
    %swap3A_166 = vector.load %arg6[%swap3A_164, %swap3A_165] : memref<40x128xf32, #tpu.memory_space<vmem>>, vector<8x128xf32>
    tpu.vector_store %arg6[%swap3A_164, %swap3A_165], %max3A_163 {strides = array<i32>} : memref<40x128xf32, #tpu.memory_space<vmem>>, vector<8x128xf32>,
    %swap3A_167 = arith.constant 24 : index
    %swap3A_168 = arith.constant 0 : index
    %swap3A_169 = vector.load %arg7[%swap3A_167, %swap3A_168] : memref<40x128xf32, #tpu.memory_space<vmem>>, vector<8x128xf32>
    tpu.vector_store %arg7[%swap3A_167, %swap3A_168], %scan3A_139#8 {strides = array<i32>} : memref<40x128xf32, #tpu.memory_space<vmem>>, vector<8x128xf32>,
    %div3A_170 = arith.divf %scan3A_139#18, %scan3A_139#19 : vector<8x128xf32>
    %max3A_171 = arith.maximumf %scan3A_139#4, %div3A_170 : vector<8x128xf32>
    %swap3A_172 = arith.constant 32 : index
    %swap3A_173 = arith.constant 0 : index
    %swap3A_174 = vector.load %arg6[%swap3A_172, %swap3A_173] : memref<40x128xf32, #tpu.memory_space<vmem>>, vector<8x128xf32>
    tpu.vector_store %arg6[%swap3A_172, %swap3A_173], %max3A_171 {strides = array<i32>} : memref<40x128xf32, #tpu.memory_space<vmem>>, vector<8x128xf32>,
    %swap3A_175 = arith.constant 32 : index
    %swap3A_176 = arith.constant 0 : index
    %swap3A_177 = vector.load %arg7[%swap3A_175, %swap3A_176] : memref<40x128xf32, #tpu.memory_space<vmem>>, vector<8x128xf32>
    tpu.vector_store %arg7[%swap3A_175, %swap3A_176], %scan3A_139#9 {strides = array<i32>} : memref<40x128xf32, #tpu.memory_space<vmem>>, vector<8x128xf32>,
    return
  }
}

</mosaic_0001>

<sc_bundles>
// kernel: kernel.4.cloned.1.call-start
scs
__scs_entry_jumppad:
0x0: {  	(pc) =	sbr.rel $0x88, $3  }
0x1: {  	(tag) =	ssettag $0x0;
	lr =	simm.s32 $0x1  }
0x2: {  	[smem:$0x3F9F] =	sst lr;
	_ =	strace $0xD0000000  }
0x3: {  	_ = 	snop  }
0x4: {  	_ = 	snop  }
0x5: {  	_ = 	snop  }
0x6: {  	_ = 	snop  }
0x7: {  	_ = 	snop  }
__scs_overlays_trampoline_lowered:
0x8: {  	[smem:$0x3FAE] =	sst s0  }
0x9: {  	[smem:$0x3FAF] =	sst s1  }
0xa: {  	[smem:$0x3FB0] =	sst s2  }
0xb: {  	[smem:$0x3FB1] =	sst s3  }
0xc: {  	[smem:$0x3FB2] =	sst s4  }
0xd: {  	[smem:$0x3FB3] =	sst s5  }
0xe: {  	[smem:$0x3FB4] =	sst s6  }
0xf: {  	[smem:$0x3FB5] =	sst s7  }
0x10: {  	[smem:$0x3FB6] =	sst s8  }
0x11: {  	[smem:$0x3FB7] =	sst s9;
	s0 =	simm.s32 @!p0 $0x0  }
0x12: {  	s1 =	sld [smem:$0x3F9D];
	s0 =	simm.s32 @p0 $0x1  }
0x13: {  	[smem:$0x3FB8] =	sst s0;
	s0 =	simm.s32 @!p1 $0x0  }
0x14: {  	s2 =	sld [smem:$0x3F9C];
	s0 =	simm.s32 @p1 $0x1  }
0x15: {  	[smem:$0x3FB9] =	sst s0;
	s0 =	simm.s32 @!p2 $0x0  }
0x16: {  	s3 =	sld [smem:$0x3FDB];
	s0 =	simm.s32 @p2 $0x1  }
0x17: {  	s4 =	simm.s32 $0x1BF5;
	[smem:$0x3FBB] =	sst s0  }
0x18: {  	s0 =	sld [smem:$0x3F9E];
	_ =	swait.ge [sflag:s4], $0x0  }
0x19: {  	s7 =	sld [smem:$0x3F9F]  }
0x1a: {  	s8 =	sadd.s32 $0xFFFFE003, lr  }
0x1b: {  	s9 =	sadd.s32 $0xFFFFFEF7, lr;
	s5 =	simm.s32 $0xFFFFFFFF;
	p2 =	slt.u32 s8, $0xFFFFF086  }
0x1c: {  	p1 =	slt.u32 s9, $0xF7A;
	s5 =	simm.s32 @!p2 $0x0  }
0x1d: {  	s5 =	simm.s32 @p1 $0x1;
	p0 =	seq.s32 s7, s2  }
0x1e: {  	s7 =	smul.u32 @!p0 $0xF7A, s2;
	p2 =	seq.s32 @!p0 s5, $0x0  }
0x1f: {  	s9 =	smul.u32 $0xF7A, s1;
	s8 =	simm.s32 @!p0 $0x1BF5;
	p2 =	por !p2, p0  }
0x20: {  	[sflag:s8] =	ssyncset.s32 @!p0 $0xFFFFF086;
	s6 =	sadd.s32 @!p0 s3, s7;
	s7 =	simm.s32 @!p0 $0x108  }
0x21: {  	s3 =	sadd.s32 s3, s9;
	s6 =	sadd.s32 @!p0 $0x88, s6;
	s7 =	simm.s32 @p2 $0x1082  }
0x22: {  	[simem:s7], [sflag:s8] =	dma.local @!p0 [hbm:s6], $0xF7A  }
0x23: {  	s9 =	sor.u32 $0xD0000000, s2;
	s6 =	simm.s32 $0x108;
	_ =	swait.ge @!p0 [sflag:s8], $0x0  }
0x24: {  	s3 =	sadd.s32 $0x88, s3;
	s6 =	simm.s32 @!p1 $0x1082;
	[sflag:s4] =	ssyncset.s32 $0xFFFFF086  }
0x25: {  	[simem:s6], [sflag:s4] =	dma.local [hbm:s3], $0xF7A  }
0x26: {  	[smem:$0x3F9F] =	sst s1;
	(tag) =	ssettag s2;
	_ =	strace s9  }
0x27: {  	s1 =	sld [smem:$0x3FAF]  }
0x28: {  	s2 =	sld [smem:$0x3FB0]  }
0x29: {  	s4 =	sld [smem:$0x3FB2]  }
0x2a: {  	p0 =	seq.s32 s5, $0x0;
	s5 =	sld [smem:$0x3FB3]  }
0x2b: {  	s6 =	sld [smem:$0x3FB4]  }
0x2c: {  	s7 =	sld [smem:$0x3FB5]  }
0x2d: {  	s3 =	simm.s32 $0x108;
	s8 =	sld [smem:$0x3FB6]  }
0x2e: {  	s3 =	simm.s32 @!p0 $0x1082;
	s9 =	sld [smem:$0x3FB7]  }
0x2f: {  	lr =	sadd.s32 s0, s3;
	s0 =	sld [smem:$0x3FAE]  }
0x30: {  	s3 =	sld [smem:$0x3FB1]  }
0x31: {  	[smem:$0x3FBA] =	sst s10  }
0x32: {  	s10 =	sld [smem:$0x3FB8];
	_ =	sdelay $0x3  }
0x33: {  	p0 =	seq.s32 s10, $0x1;
	s10 =	sld [smem:$0x3FBA];
	_ =	sdelay $0x3  }
0x34: {  	[smem:$0x3FBA] =	sst s10  }
0x35: {  	s10 =	sld [smem:$0x3FB9];
	_ =	sdelay $0x3  }
0x36: {  	p1 =	seq.s32 s10, $0x1;
	s10 =	sld [smem:$0x3FBA];
	_ =	sdelay $0x3  }
0x37: {  	[smem:$0x3FBA] =	sst s10  }
0x38: {  	s10 =	sld [smem:$0x3FBB]  }
0x39: {  	_ = 	snop;
	(pc) =	sbr.ind lr, $3  }
0x3a: {  	_ = 	snop  }
0x3b: {  	_ = 	snop  }
0x3c: {  	p2 =	seq.s32 s10, $0x1;
	s10 =	sld [smem:$0x3FBA]  }
0x3d: {  	_ =	shalt  }
0x3e: {  	_ =	shalt  }
0x3f: {  	_ =	shalt  }
0x40: {  	_ =	shalt  }
0x41: {  	_ =	shalt  }
0x42: {  	_ =	shalt  }
0x43: {  	_ =	shalt  }
0x44: {  	_ =	shalt  }
0x45: {  	_ =	shalt  }
0x46: {  	_ =	shalt  }
0x47: {  	_ =	shalt  }
0x48: {  	_ =	shalt  }
0x49: {  	_ =	shalt  }
0x4a: {  	_ =	shalt  }
0x4b: {  	_ =	shalt  }
0x4c: {  	_ =	shalt  }
0x4d: {  	_ =	shalt  }
0x4e: {  	_ =	shalt  }
0x4f: {  	_ =	shalt  }
0x50: {  	_ =	shalt  }
0x51: {  	_ =	shalt  }
0x52: {  	_ =	shalt  }
0x53: {  	_ =	shalt  }
0x54: {  	_ =	shalt  }
0x55: {  	_ =	shalt  }
0x56: {  	_ =	shalt  }
0x57: {  	_ =	shalt  }
0x58: {  	_ =	shalt  }
0x59: {  	_ =	shalt  }
0x5a: {  	_ =	shalt  }
0x5b: {  	_ =	shalt  }
0x5c: {  	_ =	shalt  }
0x5d: {  	_ =	shalt  }
0x5e: {  	_ =	shalt  }
0x5f: {  	_ =	shalt  }
0x60: {  	_ =	shalt  }
0x61: {  	_ =	shalt  }
0x62: {  	_ =	shalt  }
0x63: {  	_ =	shalt  }
0x64: {  	_ =	shalt  }
0x65: {  	_ =	shalt  }
0x66: {  	_ =	shalt  }
0x67: {  	_ =	shalt  }
0x68: {  	_ =	shalt  }
0x69: {  	_ =	shalt  }
0x6a: {  	_ =	shalt  }
0x6b: {  	_ =	shalt  }
0x6c: {  	_ =	shalt  }
0x6d: {  	_ =	shalt  }
0x6e: {  	_ =	shalt  }
0x6f: {  	_ =	shalt  }
0x70: {  	_ =	shalt  }
0x71: {  	_ =	shalt  }
0x72: {  	_ =	shalt  }
0x73: {  	_ =	shalt  }
0x74: {  	_ =	shalt  }
0x75: {  	_ =	shalt  }
0x76: {  	_ =	shalt  }
0x77: {  	_ =	shalt  }
0x78: {  	_ =	shalt  }
0x79: {  	_ =	shalt  }
0x7a: {  	_ =	shalt  }
0x7b: {  	_ =	shalt  }
0x7c: {  	_ =	shalt  }
0x7d: {  	_ =	shalt  }
0x7e: {  	_ =	shalt  }
0x7f: {  	_ =	shalt  }
0x80: {  	_ =	shalt  }
0x81: {  	_ =	shalt  }
0x82: {  	_ =	shalt  }
0x83: {  	_ =	shalt  }
0x84: {  	_ =	shalt  }
0x85: {  	_ =	shalt  }
0x86: {  	_ =	shalt  }
0x87: {  	_ =	shalt  }
.Lfunc_end0:
.L_simem_size_0:
called_computation_lowered:
.L_overlay_start_0:
0x88: {  	s2 =	sld [smem:$0x3FD9]  }
0x89: {  	s3 =	sld [smem:$0x3FFE];
	_ =	sdelay $0x1  }
0x8a: {  	s1 =	srdreg.scid  }
0x8b: {  	s0 =	sand.u32 $0x1, s1  }
0x8c: {  	s17 =	sshll.u32 s0, $0xA;
	s2 =	sadd.s32 s3, s2  }
0x8d: {  	s2 =	sadd.s32 s2, s17  }
0x8e: {  	[smem:$0x3FC6] =	sst s2  }
0x8f: {  	_ = 	snop  }
0x90: {  	s2 =	sld [smem:$0x3FD0];
	(tm) =	ssettm $0x1  }
0x91: {  	s18 =	sld [smem:$0x3FFB];
	_ =	sdelay $0x3  }
0x92: {  	_ =	strace s18  }
0x93: {  	s3 =	sld [smem:$0x3FFC];
	_ =	sdelay $0x3  }
0x94: {  	_ =	strace s3  }
0x95: {  	s3 =	sld [smem:$0x3FFD];
	_ =	sdelay $0x3  }
0x96: {  	_ =	strace s3  }
0x97: {  	_ =	strace $0x8FFFFFFF  }
0x98: {  	s19 =	sld [smem:$0x3FDB];
	_ =	sdelay $0x1  }
0x99: {  	s4 =	simm.s32 $_scs_section_size  }
0x9a: {  	s5 =	simm.s32 $_size__tile_overlayer_lowered;
	s6 =	simm.s32 $_tile_overlayer_lowered  }
0x9b: {  	s22 =	simm.s32 $0x1BFF;
	s21 =	sshll.u32 s6, $0x1;
	s3 =	sadd.s32 s4, s19  }
0x9c: {  	s7 =	simm.s32 $0x0;
	s20 =	sshll.u32 s5, $0x1;
	s5 =	sadd.s32 s21, s3  }
0x9d: {  	[timem:s7], [sflag:s22] =	dma.local [hbm:s5], s20  }
0x9e: {  	_ =	swait.ge [sflag:s22], s20  }
0x9f: {  	s4 =	ssub.s32 $0x0, s20;
	[sflag:s22] =	ssyncset.done $0x0  }
0xa0: {  	[sflag:s22] =	ssyncadd.s32 s4;
	_ =	sdelay $0x1  }
0xa1: {  	s23 =	simm.s32 $0x1B8B  }
0xa2: {  	_ =	swait.ge [sflag:s23], $0x1  }
0xa3: {  	[sflag:s23] =	ssyncset.done $0x0  }
0xa4: {  	s25 =	simm.s32 $0x1B8E;
	s24 =	sld [smem:$0x3FFE];
	[sflag:s23] =	ssyncadd.s32 $0xFFFFFFFF  }
0xa5: {  	s26 =	simm.s32 $execute0_lowered;
	[smem:$0x3FD2] =	sst s25  }
0xa6: {  	s5 =	sshll.u32 s26, $0x1;
	_ =	strace $0x80000046;
	[dreg:$0x1] =	wrdreg $0xFFFFFFFF  }
0xa7: {  	s28 =	simm.s32 $_size_execute0_lowered;
	s3 =	sadd.s32 s3, s5;
	[dreg:$0x0] =	wrdreg $0x0  }
0xa8: {  	s5 =	sshll.u32 s28, $0x1;
	[dreg:$0x2] =	wrdreg s3  }
0xa9: {  	[dreg:$0x3] =	wrdreg s5  }
0xaa: {  	[dreg:$0x4] =	wrdreg $0xC0  }
0xab: {  	_ =	task [dreg:s7], $0x5FFFF  }
0xac: {  	[dreg:$0x1] =	wrdreg $0xFFFFFFFF  }
0xad: {  	[dreg:$0x0] =	wrdreg $0x60  }
0xae: {  	[dreg:$0x2] =	wrdreg s24  }
0xaf: {  	[dreg:$0x3] =	wrdreg s2  }
0xb0: {  	[dreg:$0x4] =	wrdreg $0x9  }
0xb1: {  	_ =	task.clear_ibuf [dreg:s7], $0x5FFFF;
	_ =	strace $0x90000046  }
0xb2: {  	s29 =	simm.s32 $0x9;
	_ =	strace $0x80000048  }
0xb3: {  	_ =	swait.ge [sflag:s29], $0x1  }
0xb4: {  	[sflag:s29] =	ssyncadd.s32 $0xFFFFFFFF  }
0xb5: {  	_ =	strace $0x90000048  }
0xb6: {  	_ =	sfence  }
0xb7: {  	s30 =	sld [smem:$0x0];
	_ =	sdelay $0x2  }
0xb8: {  	s31 =	sshll.u32 s1, $0xD;
	s1 =	sshrl.u32 s1, $0x2  }
0xb9: {  	s3 =	sand.u32 $0x4000, s31;
	s1 =	sadd.s32 s1, s30  }
0xba: {  	s0 =	sor.u32 s3, s0;
	s1 =	sshll.u32 s1, $0x11  }
0xbb: {  	s0 =	sor.u32 s1, s0  }
0xbc: {  	s0 =	sadd.s32 $0x8F2B, s0  }
0xbd: {  	[sflag:s0] =	ssyncadd.remote.s32 $0x1  }
0xbe: {  	_ =	sfence.sel $0xFFFF  }
0xbf: {  	[dreg:$0x0] =	wrdreg $0xFFFFFFFF;
	(pc) =	sbr.abs _section_cstart, $3  }
0xc0: {  	[dreg:$0x1] =	wrdreg $0xFFFFFFFF  }
0xc1: {  	_ =	task.clear_ibuf [dreg:s7], $0x2FFFF;
	_ =	strace $0x9FFFFFFF  }
0xc2: {  	(tm) =	ssettm $0x7FFFFFFF  }
0xc3: {  	_ =	shalt  }
tec
execute0_lowered:
.L_overlay_start_1:
0x0: {  	(tag) =	ssettag $0x1  }
0x1: {  	s1 =	srdreg.scid  }
0x2: {  	s0 =	stileid.u32;
	s6 =	sand.u32 $0x1, s1  }
0x3: {  	s2 =	rddreg [dreg:$0x0];
	s30 =	sshll.u32 s0, $0x6;
	s3 =	sshll.u32 s6, $0x5  }
0x4: {  	s8 =	rddreg [dreg:$0x1];
	s9 =	sor.u32 s3, s30  }
0x5: {  	s1 =	rddreg [dreg:$0x2];
	s3 =	simm.s32 $0x0;
	s4 =	sshrl.u32 s9, $0x3  }
0x6: {  	s10 =	ssub.s32 $0x2, s6;
	[smem:$0x7FF] =	sst s3;
	s4 =	sadd.s32 s4, s2  }
0x7: {  	_ =	strace $0x80000047;
	s5 =	sadd.s32 $0x1400, s4;
	s4 =	simm.s32 $0x2  }
0x8: {  	[tilespmem:s3], [sflag:$0x2] =	stream.linear.gather [hbm4b:s5+s3], $0x20, $0x38;
	[tilespmem:$0x120] =	vst v63  }
0x9: {  	s11 =	sshrl.u32 s10, $0x1;
	_ =	swait.ge [sflag:s4], $0x20  }
0xa: {  	s7 =	simm.s32 $0x1;
	s10 =	ssub.s32 s10, s11;
	[sflag:s4] =	ssyncset.done $0x0  }
0xb: {  	s6 =	simm.s32 $0x20;
	s31 =	smax.u32 s10, $0x1;
	[sflag:s4] =	ssyncadd.s32 $0xFFFFFFE0  }
0xc: {  	[tilespmem:s6], [sflag:$0x1] =	stream.indirect.gather [hbm4b:s2+s6], $0x4, s3, s6, $0xb8;
	[tilespmem:$0x120] =	vst v63  }
0xd: {  	p0 =	sne.s32 s31, $0x1;
	_ =	swait.ge [sflag:s7], $0x80  }
.Ltmp0:
0xe: {  	[sflag:s7] =	ssyncset.done $0x0;
	(pc) =	sbr.rel @!p0 .LBB2_2-.Ltmp0, $4  }
0xf: {  	s8 =	sadd.s32 s8, s9;
	[sflag:s7] =	ssyncadd.s32 $0xFFFFFF80  }
0x10: {  	[hbm4b:s8+s3] =	stream.linear.scatter [tilespmem:s6], [sflag:$0x2], $0x100, $0x38;
	[tilespmem:$0x120] =	vst v63  }
0x11: {  	_ =	swait.ge [sflag:s4], $0x100  }
0x12: {  	s9 =	sadd.s32 $0xFFFFFFFF, s31;
	[sflag:s4] =	ssyncset.done $0x0  }
.LBB2_1:
0x13: {  	p0 =	sne.s32 s9, $0x1;
	s9 =	sadd.s32 $0xFFFFFFFF, s9;
	[sflag:s4] =	ssyncadd.s32 $0xFFFFFF00  }
0x14: {  	[tilespmem:s3], [sflag:$0x2] =	stream.linear.gather [hbm4b:s5+s3], $0x20, $0x38;
	[tilespmem:$0x120] =	vst v63  }
0x15: {  	_ =	swait.ge [sflag:s4], $0x20  }
0x16: {  	[sflag:s4] =	ssyncset.done $0x0  }
0x17: {  	[sflag:s4] =	ssyncadd.s32 $0xFFFFFFE0  }
0x18: {  	[tilespmem:s6], [sflag:$0x1] =	stream.indirect.gather [hbm4b:s2+s6], $0x4, s3, s6, $0xb8;
	[tilespmem:$0x120] =	vst v63  }
0x19: {  	_ =	swait.ge [sflag:s7], $0x80  }
.Ltmp1:
0x1a: {  	[sflag:s7] =	ssyncset.done $0x0;
	(pc) =	sbr.rel @p0 .LBB2_1-.Ltmp1, $4  }
0x1b: {  	[sflag:s7] =	ssyncadd.s32 $0xFFFFFF80  }
0x1c: {  	[hbm4b:s8+s3] =	stream.linear.scatter [tilespmem:s6], [sflag:$0x2], $0x100, $0x38;
	[tilespmem:$0x120] =	vst v63  }
0x1d: {  	_ =	swait.ge [sflag:s4], $0x100  }
0x1e: {  	[sflag:s4] =	ssyncset.done $0x0  }
.LBB2_2:
0x1f: {  	[sflag:s4] =	ssyncadd.s32 $0xFFFFFF00  }
0x20: {  	_ =	sfence.sel $0x180000  }
0x21: {  	[bflag:$0x0] =	sbarrier.arrive $0xFFFF  }
0x22: {  	p0 =	sne.s32 s0, $0x0;
	_ =	strace $0x90000047  }
0x23: {  	s0 =	sadd.s32 @!p0 $0x100000, s1;
	[bflag:$0x2] =	sbarrier.arrive $0xFFFF  }
0x24: {  	[sflag:s0] =	ssyncadd.tile.s32 @!p0 $0x1;
	_ =	shalt  }
.Lfunc_end2:
_tile_overlayer_lowered:
.L_overlay_start_2:
0x25: {  	(tag) =	ssettag $0x2  }
0x26: {  	s0 =	rddreg [dreg:$0x0];
	s2 =	stileid.u32  }
0x27: {  	s1 =	rddreg [dreg:$0x1];
	p0 =	sne.s32 s2, $0x0  }
0x28: {  	s3 =	rddreg [dreg:$0x2];
	[bflag:$0x3] =	sbarrier.arrive $0xFFFF;
	s2 =	simm.s32 @!p0 $0x1C02  }
0x29: {  	[timem:s3], [sflag:s2] =	dma.local @!p0 [hbm:s0], s1  }
0x2a: {  	s0 =	simm.s32 @!p0 $0x2  }
0x2b: {  	_ =	swait.ge @!p0 [sflag:s0], s1  }
0x2c: {  	s1 =	ssub.s32 @!p0 $0x0, s1;
	[sflag:s0] =	ssyncset.done @!p0 $0x0  }
0x2d: {  	[sflag:s0] =	ssyncadd.s32 @!p0 s1  }
0x2e: {  	[bflag:$0x3] =	sbarrier.arrive $0xFFFF  }
0x2f: {  	_ =	shalt  }

</sc_bundles>
